<compile_context>
chip_gen: v7x
topology: tpu7x:2x2x1
jax: 0.10.2.dev20260603
libtpu: 0.0.44.dev20260713+nightly
codegen_flags: <defaults>
</compile_context>

<pallas_src>
import functools

import jax
import jax.numpy as jnp
from jax import lax
from jax.experimental import pallas as pl
from jax.experimental.pallas import tpu as pltpu
from jax.experimental.pallas import tpu_sc as plsc

SEQ_LEN = 200
BATCH = 1024
DIM = 64
DIM_P = 128
N = SEQ_LEN * BATCH
NUM_WORKERS = 32
B_PER_W = N // NUM_WORKERS
CHUNK = 128
N_CHUNKS = B_PER_W // CHUNK
GATHERS_PER_FILL = 2
ROWS_PER_FILL = CHUNK * GATHERS_PER_FILL
N_FILLS = B_PER_W // ROWS_PER_FILL


def _make_gather():
    mesh = plsc.VectorSubcoreMesh(core_axis_name="c", subcore_axis_name="s",
                                  num_cores=2)

    @functools.partial(
        pl.kernel,
        mesh=mesh,
        out_type=jax.ShapeDtypeStruct((NUM_WORKERS, N_FILLS, ROWS_PER_FILL,
                                       DIM_P), jnp.float32),
        scratch_types=[
            pltpu.VMEM((B_PER_W,), jnp.int32),
            pltpu.VMEM((ROWS_PER_FILL, DIM_P), jnp.float32),
            pltpu.VMEM((ROWS_PER_FILL, DIM_P), jnp.float32),
            pltpu.SemaphoreType.DMA,
            pltpu.SemaphoreType.DMA,
            pltpu.SemaphoreType.DMA,
            pltpu.SemaphoreType.DMA,
        ],
        compiler_params=pltpu.CompilerParams(use_tc_tiling_on_sc=True),
    )
    def gather(table_hbm, idx_hbm, out_hbm, idx_v, rows0, rows1,
               gsem0, gsem1, wsem0, wsem1):
        wid = lax.axis_index("s") * 2 + lax.axis_index("c")
        pltpu.sync_copy(idx_hbm.at[pl.ds(wid * B_PER_W, B_PER_W)], idx_v)
        rows = (rows0, rows1)
        gsem = (gsem0, gsem1)
        wsem = (wsem0, wsem1)

        def fill_and_drain(g, b):
            hs = [
                pltpu.async_copy(
                    table_hbm.at[idx_v.at[pl.ds(
                        (g * GATHERS_PER_FILL + c) * CHUNK, CHUNK)]],
                    rows[b].at[pl.ds(c * CHUNK, CHUNK)],
                    gsem[b])
                for c in range(GATHERS_PER_FILL)
            ]
            for h in hs:
                h.wait()

        def start_writeout(g, b):
            pltpu.async_copy(rows[b], out_hbm.at[wid, g], wsem[b])

        def wait_writeout(b):
            pltpu.make_async_copy(rows[b], out_hbm.at[wid, 0], wsem[b]).wait()

        fill_and_drain(0, 0)
        start_writeout(0, 0)
        fill_and_drain(1, 1)
        start_writeout(1, 1)

        @pl.loop(2, N_FILLS - 1, step=2)
        def _(g):
            for b in range(2):
                wait_writeout(b)
                fill_and_drain(g + b, b)
                start_writeout(g + b, b)

        wait_writeout(0)
        fill_and_drain(N_FILLS - 1, 0)
        start_writeout(N_FILLS - 1, 0)

        wait_writeout(0)
        wait_writeout(1)

    return gather


_gather = _make_gather()


def kernel(source, W):
    table = jnp.pad(W, ((0, 0), (0, DIM_P - DIM)))
    idx = source.reshape(N)
    out = _gather(table, idx)
    return out.reshape(SEQ_LEN, BATCH, DIM_P)[:, :, :DIM]

# --- scband reference (transcript-rebuilt; emitter-appended) ---
"""Pipeline reference for scband-embeddings-11639361372801 (READ-ONLY COPY).

The authoritative reference and input builder live on the scoring server;
editing this copy changes nothing except your own understanding.
"""

import jax, jax.numpy as jnp
import numpy as np

SEQ_LEN = 200
BATCH = 1024
VOCAB = 1000000
DIM = 64
PAD_IDX = 0


def setup_inputs(seed: int = 0) -> dict:
    key = jax.random.key(seed)
    k1, k2 = jax.random.split(key)
    source = jax.random.randint(k1, (SEQ_LEN, BATCH, 1), 0, VOCAB, dtype=jnp.int32)
    # Embedding table (nn.Embedding weight); padding_idx row zeroed as torch does at init.
    W = jax.random.normal(k2, (VOCAB, DIM), dtype=jnp.float32)
    W = W.at[PAD_IDX].set(0.0)
    return {"source": source, "W": W}


def reference(source, W):
    # Elementwise: split source along dim=2 into one [seq, batch] tensor (n_feats=1),
    # squeeze, embed, and concat embeddings along dim 2.
    idx = source[:, :, 0]
    emb = jnp.take(W, idx, axis=0)  # [seq, batch, DIM]
    # cat of a single feature embedding along dim=2 is identity
    return emb

if __name__ == "__main__":
    import jax
    _d = setup_inputs()
    print(jax.jit(kernel)(*tuple(_d.values())))

</pallas_src>

<mosaic_0001>
#map = affine_map<(d0, d1) -> (0, 0)>
#map1 = affine_map<(d0, d1) -> (0)>
#map2 = affine_map<(d0, d1) -> (0, 0, 0, 0)>
module attributes {stable_mosaic.version = 14 : i64} {
  func.func @gather(%arg0: i32, %arg1: i32, %arg2: memref<1000000x128xf32, #tpu.memory_space<hbm>>, %arg3: memref<204800xi32, #tpu.memory_space<hbm>>, %arg4: memref<32x25x256x128xf32, #tpu.memory_space<hbm>>, %arg5: memref<6400xi32, #tpu.memory_space<vmem>>, %arg6: memref<256x128xf32, #tpu.memory_space<vmem>>, %arg7: memref<256x128xf32, #tpu.memory_space<vmem>>, %arg8: memref<!tpu.dma_semaphore, #tpu.memory_space<semaphore_mem>>, %arg9: memref<!tpu.dma_semaphore, #tpu.memory_space<semaphore_mem>>, %arg10: memref<!tpu.dma_semaphore, #tpu.memory_space<semaphore_mem>>, %arg11: memref<!tpu.dma_semaphore, #tpu.memory_space<semaphore_mem>>) attributes {dimension_semantics = [#tpu.dimension_semantics<core_parallel>, #tpu.dimension_semantics<subcore_parallel>], iteration_bounds = array<i64: 2, 16>, scalar_prefetch = 0 : i64, scratch_operands = 7 : i64, tpu.core_type = #tpu.core_type<sc_vector_subcore>, window_params = [{transform_indices = #map}, {transform_indices = #map1}, {transform_indices = #map2}]} {
    %mul3A = arith.constant 2 : i32
    %mul3A_0 = arith.muli %arg1, %mul3A : i32
    %add3A = arith.addi %mul3A_0, %arg0 : i32
    %mul3A_1 = arith.constant 6400 : i32
    %mul3A_2 = arith.muli %add3A, %mul3A_1 : i32
    "tpu.region"() ({
      %run_scoped3A = tpu.sem_alloc : memref<!tpu.dma_semaphore, #tpu.memory_space<semaphore_mem>>
      %dma_start3A_155 = tpu.memref_slice %arg3[%mul3A_2] : memref<204800xi32, #tpu.memory_space<hbm>> -> memref<6400xi32, #tpu.memory_space<hbm>>
      %dma_start3A_156 = tpu.memref_slice %arg3[%mul3A_2] : memref<204800xi32, #tpu.memory_space<hbm>> -> memref<6400xi32, #tpu.memory_space<hbm>>
      tpu.enqueue_dma source(%dma_start3A_156 : memref<6400xi32, #tpu.memory_space<hbm>>) target(%arg5 : memref<6400xi32, #tpu.memory_space<vmem>>) target_semaphore(%run_scoped3A : memref<!tpu.dma_semaphore, #tpu.memory_space<semaphore_mem>>)
      %dma_wait3A_157 = tpu.memref_slice %arg3[%mul3A_2] : memref<204800xi32, #tpu.memory_space<hbm>> -> memref<6400xi32, #tpu.memory_space<hbm>>
      %dma_wait3A_158 = tpu.memref_slice %arg3[%mul3A_2] : memref<204800xi32, #tpu.memory_space<hbm>> -> memref<6400xi32, #tpu.memory_space<hbm>>
      tpu.wait_dma2 semaphore(%run_scoped3A : memref<!tpu.dma_semaphore, #tpu.memory_space<semaphore_mem>>) src(%dma_wait3A_158 : memref<6400xi32, #tpu.memory_space<hbm>>) dst(%arg5 : memref<6400xi32, #tpu.memory_space<vmem>>)
      tpu.yield
    }) : () -> ()
    %dma_start3A = arith.constant 0 : i32
    %dma_start3A_3 = arith.constant 0 : i32
    %dma_start3A_4 = tpu.memref_slice %arg6[%dma_start3A, %dma_start3A_3] : memref<256x128xf32, #tpu.memory_space<vmem>> -> memref<128x128xf32, #tpu.memory_space<vmem>>
    %dma_start3A_5 = arith.constant 0 : i32
    %dma_start3A_6 = tpu.memref_slice %arg5[%dma_start3A_5] : memref<6400xi32, #tpu.memory_space<vmem>> -> memref<128xi32, #tpu.memory_space<vmem>>
    %dma_start3A_7 = arith.constant 0 : i32
    %dma_start3A_8 = arith.constant 0 : i32
    %dma_start3A_9 = tpu.memref_slice %arg2[%dma_start3A_7, %dma_start3A_8] : memref<1000000x128xf32, #tpu.memory_space<hbm>> -> memref<1000000x128xf32, #tpu.memory_space<hbm>>
    tpu.enqueue_indirect_dma source(%dma_start3A_9 : memref<1000000x128xf32, #tpu.memory_space<hbm>>) target(%dma_start3A_4 : memref<128x128xf32, #tpu.memory_space<vmem>>) offsets(%dma_start3A_6 : memref<128xi32, #tpu.memory_space<vmem>>) semaphore(%arg8 : memref<!tpu.dma_semaphore, #tpu.memory_space<semaphore_mem>>)
    %dma_start3A_10 = arith.constant 128 : i32
    %dma_start3A_11 = arith.constant 0 : i32
    %dma_start3A_12 = tpu.memref_slice %arg6[%dma_start3A_10, %dma_start3A_11] : memref<256x128xf32, #tpu.memory_space<vmem>> -> memref<128x128xf32, #tpu.memory_space<vmem>>
    %dma_start3A_13 = arith.constant 128 : i32
    %dma_start3A_14 = tpu.memref_slice %arg5[%dma_start3A_13] : memref<6400xi32, #tpu.memory_space<vmem>> -> memref<128xi32, #tpu.memory_space<vmem>>
    %dma_start3A_15 = arith.constant 0 : i32
    %dma_start3A_16 = arith.constant 0 : i32
    %dma_start3A_17 = tpu.memref_slice %arg2[%dma_start3A_15, %dma_start3A_16] : memref<1000000x128xf32, #tpu.memory_space<hbm>> -> memref<1000000x128xf32, #tpu.memory_space<hbm>>
    tpu.enqueue_indirect_dma source(%dma_start3A_17 : memref<1000000x128xf32, #tpu.memory_space<hbm>>) target(%dma_start3A_12 : memref<128x128xf32, #tpu.memory_space<vmem>>) offsets(%dma_start3A_14 : memref<128xi32, #tpu.memory_space<vmem>>) semaphore(%arg8 : memref<!tpu.dma_semaphore, #tpu.memory_space<semaphore_mem>>)
    %dma_wait3A = arith.constant 0 : i32
    %dma_wait3A_18 = arith.constant 0 : i32
    %dma_wait3A_19 = tpu.memref_slice %arg6[%dma_wait3A, %dma_wait3A_18] : memref<256x128xf32, #tpu.memory_space<vmem>> -> memref<128x128xf32, #tpu.memory_space<vmem>>
    %dma_wait3A_20 = arith.constant 0 : i32
    %dma_wait3A_21 = tpu.memref_slice %arg5[%dma_wait3A_20] : memref<6400xi32, #tpu.memory_space<vmem>> -> memref<128xi32, #tpu.memory_space<vmem>>
    %dma_wait3A_22 = arith.constant 0 : i32
    %dma_wait3A_23 = arith.constant 0 : i32
    %dma_wait3A_24 = tpu.memref_slice %arg2[%dma_wait3A_22, %dma_wait3A_23] : memref<1000000x128xf32, #tpu.memory_space<hbm>> -> memref<1000000x128xf32, #tpu.memory_space<hbm>>
    tpu.wait_indirect_dma semaphore(%arg8 : memref<!tpu.dma_semaphore, #tpu.memory_space<semaphore_mem>>) src(%dma_wait3A_24 : memref<1000000x128xf32, #tpu.memory_space<hbm>>) dst(%dma_wait3A_19 : memref<128x128xf32, #tpu.memory_space<vmem>>)
    %dma_wait3A_25 = arith.constant 128 : i32
    %dma_wait3A_26 = arith.constant 0 : i32
    %dma_wait3A_27 = tpu.memref_slice %arg6[%dma_wait3A_25, %dma_wait3A_26] : memref<256x128xf32, #tpu.memory_space<vmem>> -> memref<128x128xf32, #tpu.memory_space<vmem>>
    %dma_wait3A_28 = arith.constant 128 : i32
    %dma_wait3A_29 = tpu.memref_slice %arg5[%dma_wait3A_28] : memref<6400xi32, #tpu.memory_space<vmem>> -> memref<128xi32, #tpu.memory_space<vmem>>
    %dma_wait3A_30 = arith.constant 0 : i32
    %dma_wait3A_31 = arith.constant 0 : i32
    %dma_wait3A_32 = tpu.memref_slice %arg2[%dma_wait3A_30, %dma_wait3A_31] : memref<1000000x128xf32, #tpu.memory_space<hbm>> -> memref<1000000x128xf32, #tpu.memory_space<hbm>>
    tpu.wait_indirect_dma semaphore(%arg8 : memref<!tpu.dma_semaphore, #tpu.memory_space<semaphore_mem>>) src(%dma_wait3A_32 : memref<1000000x128xf32, #tpu.memory_space<hbm>>) dst(%dma_wait3A_27 : memref<128x128xf32, #tpu.memory_space<vmem>>)
    %dma_start3A_33 = arith.constant 0 : i32
    %dma_start3A_34 = arith.constant 0 : i32
    %dma_start3A_35 = arith.constant 0 : i32
    %dma_start3A_36 = tpu.memref_slice %arg4[%add3A, %dma_start3A_33, %dma_start3A_34, %dma_start3A_35] : memref<32x25x256x128xf32, #tpu.memory_space<hbm>> -> memref<1x1x256x128xf32, #tpu.memory_space<hbm>>
    %dma_start3A_37 = tpu.memref_squeeze %dma_start3A_36 : memref<1x1x256x128xf32, #tpu.memory_space<hbm>> -> memref<256x128xf32, #tpu.memory_space<hbm>>
    %dma_start3A_38 = arith.constant 0 : i32
    %dma_start3A_39 = arith.constant 0 : i32
    %dma_start3A_40 = tpu.memref_slice %arg4[%add3A, %dma_start3A_33, %dma_start3A_38, %dma_start3A_39] : memref<32x25x256x128xf32, #tpu.memory_space<hbm>> -> memref<1x1x256x128xf32, #tpu.memory_space<hbm>>
    %dma_start3A_41 = tpu.memref_squeeze %dma_start3A_40 : memref<1x1x256x128xf32, #tpu.memory_space<hbm>> -> memref<256x128xf32, #tpu.memory_space<hbm>>
    tpu.enqueue_dma source(%arg6 : memref<256x128xf32, #tpu.memory_space<vmem>>) target(%dma_start3A_41 : memref<256x128xf32, #tpu.memory_space<hbm>>) target_semaphore(%arg10 : memref<!tpu.dma_semaphore, #tpu.memory_space<semaphore_mem>>)
    %dma_start3A_42 = arith.constant 0 : i32
    %dma_start3A_43 = arith.constant 0 : i32
    %dma_start3A_44 = tpu.memref_slice %arg7[%dma_start3A_42, %dma_start3A_43] : memref<256x128xf32, #tpu.memory_space<vmem>> -> memref<128x128xf32, #tpu.memory_space<vmem>>
    %dma_start3A_45 = arith.constant 256 : i32
    %dma_start3A_46 = tpu.memref_slice %arg5[%dma_start3A_45] : memref<6400xi32, #tpu.memory_space<vmem>> -> memref<128xi32, #tpu.memory_space<vmem>>
    %dma_start3A_47 = arith.constant 0 : i32
    %dma_start3A_48 = arith.constant 0 : i32
    %dma_start3A_49 = tpu.memref_slice %arg2[%dma_start3A_47, %dma_start3A_48] : memref<1000000x128xf32, #tpu.memory_space<hbm>> -> memref<1000000x128xf32, #tpu.memory_space<hbm>>
    tpu.enqueue_indirect_dma source(%dma_start3A_49 : memref<1000000x128xf32, #tpu.memory_space<hbm>>) target(%dma_start3A_44 : memref<128x128xf32, #tpu.memory_space<vmem>>) offsets(%dma_start3A_46 : memref<128xi32, #tpu.memory_space<vmem>>) semaphore(%arg9 : memref<!tpu.dma_semaphore, #tpu.memory_space<semaphore_mem>>)
    %dma_start3A_50 = arith.constant 128 : i32
    %dma_start3A_51 = arith.constant 0 : i32
    %dma_start3A_52 = tpu.memref_slice %arg7[%dma_start3A_50, %dma_start3A_51] : memref<256x128xf32, #tpu.memory_space<vmem>> -> memref<128x128xf32, #tpu.memory_space<vmem>>
    %dma_start3A_53 = arith.constant 384 : i32
    %dma_start3A_54 = tpu.memref_slice %arg5[%dma_start3A_53] : memref<6400xi32, #tpu.memory_space<vmem>> -> memref<128xi32, #tpu.memory_space<vmem>>
    %dma_start3A_55 = arith.constant 0 : i32
    %dma_start3A_56 = arith.constant 0 : i32
    %dma_start3A_57 = tpu.memref_slice %arg2[%dma_start3A_55, %dma_start3A_56] : memref<1000000x128xf32, #tpu.memory_space<hbm>> -> memref<1000000x128xf32, #tpu.memory_space<hbm>>
    tpu.enqueue_indirect_dma source(%dma_start3A_57 : memref<1000000x128xf32, #tpu.memory_space<hbm>>) target(%dma_start3A_52 : memref<128x128xf32, #tpu.memory_space<vmem>>) offsets(%dma_start3A_54 : memref<128xi32, #tpu.memory_space<vmem>>) semaphore(%arg9 : memref<!tpu.dma_semaphore, #tpu.memory_space<semaphore_mem>>)
    %dma_wait3A_58 = arith.constant 0 : i32
    %dma_wait3A_59 = arith.constant 0 : i32
    %dma_wait3A_60 = tpu.memref_slice %arg7[%dma_wait3A_58, %dma_wait3A_59] : memref<256x128xf32, #tpu.memory_space<vmem>> -> memref<128x128xf32, #tpu.memory_space<vmem>>
    %dma_wait3A_61 = arith.constant 256 : i32
    %dma_wait3A_62 = tpu.memref_slice %arg5[%dma_wait3A_61] : memref<6400xi32, #tpu.memory_space<vmem>> -> memref<128xi32, #tpu.memory_space<vmem>>
    %dma_wait3A_63 = arith.constant 0 : i32
    %dma_wait3A_64 = arith.constant 0 : i32
    %dma_wait3A_65 = tpu.memref_slice %arg2[%dma_wait3A_63, %dma_wait3A_64] : memref<1000000x128xf32, #tpu.memory_space<hbm>> -> memref<1000000x128xf32, #tpu.memory_space<hbm>>
    tpu.wait_indirect_dma semaphore(%arg9 : memref<!tpu.dma_semaphore, #tpu.memory_space<semaphore_mem>>) src(%dma_wait3A_65 : memref<1000000x128xf32, #tpu.memory_space<hbm>>) dst(%dma_wait3A_60 : memref<128x128xf32, #tpu.memory_space<vmem>>)
    %dma_wait3A_66 = arith.constant 128 : i32
    %dma_wait3A_67 = arith.constant 0 : i32
    %dma_wait3A_68 = tpu.memref_slice %arg7[%dma_wait3A_66, %dma_wait3A_67] : memref<256x128xf32, #tpu.memory_space<vmem>> -> memref<128x128xf32, #tpu.memory_space<vmem>>
    %dma_wait3A_69 = arith.constant 384 : i32
    %dma_wait3A_70 = tpu.memref_slice %arg5[%dma_wait3A_69] : memref<6400xi32, #tpu.memory_space<vmem>> -> memref<128xi32, #tpu.memory_space<vmem>>
    %dma_wait3A_71 = arith.constant 0 : i32
    %dma_wait3A_72 = arith.constant 0 : i32
    %dma_wait3A_73 = tpu.memref_slice %arg2[%dma_wait3A_71, %dma_wait3A_72] : memref<1000000x128xf32, #tpu.memory_space<hbm>> -> memref<1000000x128xf32, #tpu.memory_space<hbm>>
    tpu.wait_indirect_dma semaphore(%arg9 : memref<!tpu.dma_semaphore, #tpu.memory_space<semaphore_mem>>) src(%dma_wait3A_73 : memref<1000000x128xf32, #tpu.memory_space<hbm>>) dst(%dma_wait3A_68 : memref<128x128xf32, #tpu.memory_space<vmem>>)
    %dma_start3A_74 = arith.constant 1 : i32
    %dma_start3A_75 = arith.constant 0 : i32
    %dma_start3A_76 = arith.constant 0 : i32
    %dma_start3A_77 = tpu.memref_slice %arg4[%add3A, %dma_start3A_74, %dma_start3A_75, %dma_start3A_76] : memref<32x25x256x128xf32, #tpu.memory_space<hbm>> -> memref<1x1x256x128xf32, #tpu.memory_space<hbm>>
    %dma_start3A_78 = tpu.memref_squeeze %dma_start3A_77 : memref<1x1x256x128xf32, #tpu.memory_space<hbm>> -> memref<256x128xf32, #tpu.memory_space<hbm>>
    %dma_start3A_79 = arith.constant 0 : i32
    %dma_start3A_80 = arith.constant 0 : i32
    %dma_start3A_81 = tpu.memref_slice %arg4[%add3A, %dma_start3A_74, %dma_start3A_79, %dma_start3A_80] : memref<32x25x256x128xf32, #tpu.memory_space<hbm>> -> memref<1x1x256x128xf32, #tpu.memory_space<hbm>>
    %dma_start3A_82 = tpu.memref_squeeze %dma_start3A_81 : memref<1x1x256x128xf32, #tpu.memory_space<hbm>> -> memref<256x128xf32, #tpu.memory_space<hbm>>
    tpu.enqueue_dma source(%arg7 : memref<256x128xf32, #tpu.memory_space<vmem>>) target(%dma_start3A_82 : memref<256x128xf32, #tpu.memory_space<hbm>>) target_semaphore(%arg11 : memref<!tpu.dma_semaphore, #tpu.memory_space<semaphore_mem>>)
    %scan3A = arith.constant 0 : i32
    %scan3A_83 = arith.constant 11 : i32
    %scan3A_84 = arith.addi %scan3A, %scan3A_83 : i32
    %scan3A_85 = arith.constant 1 : i32
    scf.for %scan3A_155 = %scan3A to %scan3A_84 step %scan3A_85  : i32 {
      %mul3A_156 = arith.constant 2 : i32
      %mul3A_157 = arith.muli %scan3A_155, %mul3A_156 : i32
      %add3A_158 = arith.constant 2 : i32
      %add3A_159 = arith.addi %add3A_158, %mul3A_157 : i32
      %dma_wait3A_160 = arith.constant 0 : i32
      %dma_wait3A_161 = arith.constant 0 : i32
      %dma_wait3A_162 = arith.constant 0 : i32
      %dma_wait3A_163 = tpu.memref_slice %arg4[%add3A, %dma_wait3A_160, %dma_wait3A_161, %dma_wait3A_162] : memref<32x25x256x128xf32, #tpu.memory_space<hbm>> -> memref<1x1x256x128xf32, #tpu.memory_space<hbm>>
      %dma_wait3A_164 = tpu.memref_squeeze %dma_wait3A_163 : memref<1x1x256x128xf32, #tpu.memory_space<hbm>> -> memref<256x128xf32, #tpu.memory_space<hbm>>
      %dma_wait3A_165 = arith.constant 0 : i32
      %dma_wait3A_166 = arith.constant 0 : i32
      %dma_wait3A_167 = tpu.memref_slice %arg4[%add3A, %dma_wait3A_160, %dma_wait3A_165, %dma_wait3A_166] : memref<32x25x256x128xf32, #tpu.memory_space<hbm>> -> memref<1x1x256x128xf32, #tpu.memory_space<hbm>>
      %dma_wait3A_168 = tpu.memref_squeeze %dma_wait3A_167 : memref<1x1x256x128xf32, #tpu.memory_space<hbm>> -> memref<256x128xf32, #tpu.memory_space<hbm>>
      tpu.wait_dma2 semaphore(%arg10 : memref<!tpu.dma_semaphore, #tpu.memory_space<semaphore_mem>>) src(%arg6 : memref<256x128xf32, #tpu.memory_space<vmem>>) dst(%dma_wait3A_168 : memref<256x128xf32, #tpu.memory_space<hbm>>)
      %add3A_169 = arith.constant 0 : i32
      %add3A_170 = arith.addi %add3A_159, %add3A_169 : i32
      %mul3A_171 = arith.constant 2 : i32
      %mul3A_172 = arith.muli %add3A_170, %mul3A_171 : i32
      %add3A_173 = arith.constant 0 : i32
      %add3A_174 = arith.addi %mul3A_172, %add3A_173 : i32
      %mul3A_175 = arith.constant 128 : i32
      %mul3A_176 = arith.muli %add3A_174, %mul3A_175 : i32
      %dma_start3A_177 = arith.constant 0 : i32
      %dma_start3A_178 = arith.constant 0 : i32
      %dma_start3A_179 = tpu.memref_slice %arg6[%dma_start3A_177, %dma_start3A_178] : memref<256x128xf32, #tpu.memory_space<vmem>> -> memref<128x128xf32, #tpu.memory_space<vmem>>
      %dma_start3A_180 = tpu.memref_slice %arg5[%mul3A_176] : memref<6400xi32, #tpu.memory_space<vmem>> -> memref<128xi32, #tpu.memory_space<vmem>>
      %dma_start3A_181 = arith.constant 0 : i32
      %dma_start3A_182 = arith.constant 0 : i32
      %dma_start3A_183 = tpu.memref_slice %arg2[%dma_start3A_181, %dma_start3A_182] : memref<1000000x128xf32, #tpu.memory_space<hbm>> -> memref<1000000x128xf32, #tpu.memory_space<hbm>>
      tpu.enqueue_indirect_dma source(%dma_start3A_183 : memref<1000000x128xf32, #tpu.memory_space<hbm>>) target(%dma_start3A_179 : memref<128x128xf32, #tpu.memory_space<vmem>>) offsets(%dma_start3A_180 : memref<128xi32, #tpu.memory_space<vmem>>) semaphore(%arg8 : memref<!tpu.dma_semaphore, #tpu.memory_space<semaphore_mem>>)
      %mul3A_184 = arith.constant 2 : i32
      %mul3A_185 = arith.muli %add3A_170, %mul3A_184 : i32
      %add3A_186 = arith.constant 1 : i32
      %add3A_187 = arith.addi %mul3A_185, %add3A_186 : i32
      %mul3A_188 = arith.constant 128 : i32
      %mul3A_189 = arith.muli %add3A_187, %mul3A_188 : i32
      %dma_start3A_190 = arith.constant 128 : i32
      %dma_start3A_191 = arith.constant 0 : i32
      %dma_start3A_192 = tpu.memref_slice %arg6[%dma_start3A_190, %dma_start3A_191] : memref<256x128xf32, #tpu.memory_space<vmem>> -> memref<128x128xf32, #tpu.memory_space<vmem>>
      %dma_start3A_193 = tpu.memref_slice %arg5[%mul3A_189] : memref<6400xi32, #tpu.memory_space<vmem>> -> memref<128xi32, #tpu.memory_space<vmem>>
      %dma_start3A_194 = arith.constant 0 : i32
      %dma_start3A_195 = arith.constant 0 : i32
      %dma_start3A_196 = tpu.memref_slice %arg2[%dma_start3A_194, %dma_start3A_195] : memref<1000000x128xf32, #tpu.memory_space<hbm>> -> memref<1000000x128xf32, #tpu.memory_space<hbm>>
      tpu.enqueue_indirect_dma source(%dma_start3A_196 : memref<1000000x128xf32, #tpu.memory_space<hbm>>) target(%dma_start3A_192 : memref<128x128xf32, #tpu.memory_space<vmem>>) offsets(%dma_start3A_193 : memref<128xi32, #tpu.memory_space<vmem>>) semaphore(%arg8 : memref<!tpu.dma_semaphore, #tpu.memory_space<semaphore_mem>>)
      %dma_wait3A_197 = arith.constant 0 : i32
      %dma_wait3A_198 = arith.constant 0 : i32
      %dma_wait3A_199 = tpu.memref_slice %arg6[%dma_wait3A_197, %dma_wait3A_198] : memref<256x128xf32, #tpu.memory_space<vmem>> -> memref<128x128xf32, #tpu.memory_space<vmem>>
      %dma_wait3A_200 = tpu.memref_slice %arg5[%mul3A_176] : memref<6400xi32, #tpu.memory_space<vmem>> -> memref<128xi32, #tpu.memory_space<vmem>>
      %dma_wait3A_201 = arith.constant 0 : i32
      %dma_wait3A_202 = arith.constant 0 : i32
      %dma_wait3A_203 = tpu.memref_slice %arg2[%dma_wait3A_201, %dma_wait3A_202] : memref<1000000x128xf32, #tpu.memory_space<hbm>> -> memref<1000000x128xf32, #tpu.memory_space<hbm>>
      tpu.wait_indirect_dma semaphore(%arg8 : memref<!tpu.dma_semaphore, #tpu.memory_space<semaphore_mem>>) src(%dma_wait3A_203 : memref<1000000x128xf32, #tpu.memory_space<hbm>>) dst(%dma_wait3A_199 : memref<128x128xf32, #tpu.memory_space<vmem>>)
      %dma_wait3A_204 = arith.constant 128 : i32
      %dma_wait3A_205 = arith.constant 0 : i32
      %dma_wait3A_206 = tpu.memref_slice %arg6[%dma_wait3A_204, %dma_wait3A_205] : memref<256x128xf32, #tpu.memory_space<vmem>> -> memref<128x128xf32, #tpu.memory_space<vmem>>
      %dma_wait3A_207 = tpu.memref_slice %arg5[%mul3A_189] : memref<6400xi32, #tpu.memory_space<vmem>> -> memref<128xi32, #tpu.memory_space<vmem>>
      %dma_wait3A_208 = arith.constant 0 : i32
      %dma_wait3A_209 = arith.constant 0 : i32
      %dma_wait3A_210 = tpu.memref_slice %arg2[%dma_wait3A_208, %dma_wait3A_209] : memref<1000000x128xf32, #tpu.memory_space<hbm>> -> memref<1000000x128xf32, #tpu.memory_space<hbm>>
      tpu.wait_indirect_dma semaphore(%arg8 : memref<!tpu.dma_semaphore, #tpu.memory_space<semaphore_mem>>) src(%dma_wait3A_210 : memref<1000000x128xf32, #tpu.memory_space<hbm>>) dst(%dma_wait3A_206 : memref<128x128xf32, #tpu.memory_space<vmem>>)
      %add3A_211 = arith.constant 0 : i32
      %add3A_212 = arith.addi %add3A_159, %add3A_211 : i32
      %dma_start3A_213 = arith.constant 0 : i32
      %dma_start3A_214 = arith.constant 0 : i32
      %dma_start3A_215 = tpu.memref_slice %arg4[%add3A, %add3A_212, %dma_start3A_213, %dma_start3A_214] : memref<32x25x256x128xf32, #tpu.memory_space<hbm>> -> memref<1x1x256x128xf32, #tpu.memory_space<hbm>>
      %dma_start3A_216 = tpu.memref_squeeze %dma_start3A_215 : memref<1x1x256x128xf32, #tpu.memory_space<hbm>> -> memref<256x128xf32, #tpu.memory_space<hbm>>
      %dma_start3A_217 = arith.constant 0 : i32
      %dma_start3A_218 = arith.constant 0 : i32
      %dma_start3A_219 = tpu.memref_slice %arg4[%add3A, %add3A_212, %dma_start3A_217, %dma_start3A_218] : memref<32x25x256x128xf32, #tpu.memory_space<hbm>> -> memref<1x1x256x128xf32, #tpu.memory_space<hbm>>
      %dma_start3A_220 = tpu.memref_squeeze %dma_start3A_219 : memref<1x1x256x128xf32, #tpu.memory_space<hbm>> -> memref<256x128xf32, #tpu.memory_space<hbm>>
      tpu.enqueue_dma source(%arg6 : memref<256x128xf32, #tpu.memory_space<vmem>>) target(%dma_start3A_220 : memref<256x128xf32, #tpu.memory_space<hbm>>) target_semaphore(%arg10 : memref<!tpu.dma_semaphore, #tpu.memory_space<semaphore_mem>>)
      %dma_wait3A_221 = arith.constant 0 : i32
      %dma_wait3A_222 = arith.constant 0 : i32
      %dma_wait3A_223 = arith.constant 0 : i32
      %dma_wait3A_224 = tpu.memref_slice %arg4[%add3A, %dma_wait3A_221, %dma_wait3A_222, %dma_wait3A_223] : memref<32x25x256x128xf32, #tpu.memory_space<hbm>> -> memref<1x1x256x128xf32, #tpu.memory_space<hbm>>
      %dma_wait3A_225 = tpu.memref_squeeze %dma_wait3A_224 : memref<1x1x256x128xf32, #tpu.memory_space<hbm>> -> memref<256x128xf32, #tpu.memory_space<hbm>>
      %dma_wait3A_226 = arith.constant 0 : i32
      %dma_wait3A_227 = arith.constant 0 : i32
      %dma_wait3A_228 = tpu.memref_slice %arg4[%add3A, %dma_wait3A_221, %dma_wait3A_226, %dma_wait3A_227] : memref<32x25x256x128xf32, #tpu.memory_space<hbm>> -> memref<1x1x256x128xf32, #tpu.memory_space<hbm>>
      %dma_wait3A_229 = tpu.memref_squeeze %dma_wait3A_228 : memref<1x1x256x128xf32, #tpu.memory_space<hbm>> -> memref<256x128xf32, #tpu.memory_space<hbm>>
      tpu.wait_dma2 semaphore(%arg11 : memref<!tpu.dma_semaphore, #tpu.memory_space<semaphore_mem>>) src(%arg7 : memref<256x128xf32, #tpu.memory_space<vmem>>) dst(%dma_wait3A_229 : memref<256x128xf32, #tpu.memory_space<hbm>>)
      %add3A_230 = arith.constant 1 : i32
      %add3A_231 = arith.addi %add3A_159, %add3A_230 : i32
      %mul3A_232 = arith.constant 2 : i32
      %mul3A_233 = arith.muli %add3A_231, %mul3A_232 : i32
      %add3A_234 = arith.constant 0 : i32
      %add3A_235 = arith.addi %mul3A_233, %add3A_234 : i32
      %mul3A_236 = arith.constant 128 : i32
      %mul3A_237 = arith.muli %add3A_235, %mul3A_236 : i32
      %dma_start3A_238 = arith.constant 0 : i32
      %dma_start3A_239 = arith.constant 0 : i32
      %dma_start3A_240 = tpu.memref_slice %arg7[%dma_start3A_238, %dma_start3A_239] : memref<256x128xf32, #tpu.memory_space<vmem>> -> memref<128x128xf32, #tpu.memory_space<vmem>>
      %dma_start3A_241 = tpu.memref_slice %arg5[%mul3A_237] : memref<6400xi32, #tpu.memory_space<vmem>> -> memref<128xi32, #tpu.memory_space<vmem>>
      %dma_start3A_242 = arith.constant 0 : i32
      %dma_start3A_243 = arith.constant 0 : i32
      %dma_start3A_244 = tpu.memref_slice %arg2[%dma_start3A_242, %dma_start3A_243] : memref<1000000x128xf32, #tpu.memory_space<hbm>> -> memref<1000000x128xf32, #tpu.memory_space<hbm>>
      tpu.enqueue_indirect_dma source(%dma_start3A_244 : memref<1000000x128xf32, #tpu.memory_space<hbm>>) target(%dma_start3A_240 : memref<128x128xf32, #tpu.memory_space<vmem>>) offsets(%dma_start3A_241 : memref<128xi32, #tpu.memory_space<vmem>>) semaphore(%arg9 : memref<!tpu.dma_semaphore, #tpu.memory_space<semaphore_mem>>)
      %mul3A_245 = arith.constant 2 : i32
      %mul3A_246 = arith.muli %add3A_231, %mul3A_245 : i32
      %add3A_247 = arith.constant 1 : i32
      %add3A_248 = arith.addi %mul3A_246, %add3A_247 : i32
      %mul3A_249 = arith.constant 128 : i32
      %mul3A_250 = arith.muli %add3A_248, %mul3A_249 : i32
      %dma_start3A_251 = arith.constant 128 : i32
      %dma_start3A_252 = arith.constant 0 : i32
      %dma_start3A_253 = tpu.memref_slice %arg7[%dma_start3A_251, %dma_start3A_252] : memref<256x128xf32, #tpu.memory_space<vmem>> -> memref<128x128xf32, #tpu.memory_space<vmem>>
      %dma_start3A_254 = tpu.memref_slice %arg5[%mul3A_250] : memref<6400xi32, #tpu.memory_space<vmem>> -> memref<128xi32, #tpu.memory_space<vmem>>
      %dma_start3A_255 = arith.constant 0 : i32
      %dma_start3A_256 = arith.constant 0 : i32
      %dma_start3A_257 = tpu.memref_slice %arg2[%dma_start3A_255, %dma_start3A_256] : memref<1000000x128xf32, #tpu.memory_space<hbm>> -> memref<1000000x128xf32, #tpu.memory_space<hbm>>
      tpu.enqueue_indirect_dma source(%dma_start3A_257 : memref<1000000x128xf32, #tpu.memory_space<hbm>>) target(%dma_start3A_253 : memref<128x128xf32, #tpu.memory_space<vmem>>) offsets(%dma_start3A_254 : memref<128xi32, #tpu.memory_space<vmem>>) semaphore(%arg9 : memref<!tpu.dma_semaphore, #tpu.memory_space<semaphore_mem>>)
      %dma_wait3A_258 = arith.constant 0 : i32
      %dma_wait3A_259 = arith.constant 0 : i32
      %dma_wait3A_260 = tpu.memref_slice %arg7[%dma_wait3A_258, %dma_wait3A_259] : memref<256x128xf32, #tpu.memory_space<vmem>> -> memref<128x128xf32, #tpu.memory_space<vmem>>
      %dma_wait3A_261 = tpu.memref_slice %arg5[%mul3A_237] : memref<6400xi32, #tpu.memory_space<vmem>> -> memref<128xi32, #tpu.memory_space<vmem>>
      %dma_wait3A_262 = arith.constant 0 : i32
      %dma_wait3A_263 = arith.constant 0 : i32
      %dma_wait3A_264 = tpu.memref_slice %arg2[%dma_wait3A_262, %dma_wait3A_263] : memref<1000000x128xf32, #tpu.memory_space<hbm>> -> memref<1000000x128xf32, #tpu.memory_space<hbm>>
      tpu.wait_indirect_dma semaphore(%arg9 : memref<!tpu.dma_semaphore, #tpu.memory_space<semaphore_mem>>) src(%dma_wait3A_264 : memref<1000000x128xf32, #tpu.memory_space<hbm>>) dst(%dma_wait3A_260 : memref<128x128xf32, #tpu.memory_space<vmem>>)
      %dma_wait3A_265 = arith.constant 128 : i32
      %dma_wait3A_266 = arith.constant 0 : i32
      %dma_wait3A_267 = tpu.memref_slice %arg7[%dma_wait3A_265, %dma_wait3A_266] : memref<256x128xf32, #tpu.memory_space<vmem>> -> memref<128x128xf32, #tpu.memory_space<vmem>>
      %dma_wait3A_268 = tpu.memref_slice %arg5[%mul3A_250] : memref<6400xi32, #tpu.memory_space<vmem>> -> memref<128xi32, #tpu.memory_space<vmem>>
      %dma_wait3A_269 = arith.constant 0 : i32
      %dma_wait3A_270 = arith.constant 0 : i32
      %dma_wait3A_271 = tpu.memref_slice %arg2[%dma_wait3A_269, %dma_wait3A_270] : memref<1000000x128xf32, #tpu.memory_space<hbm>> -> memref<1000000x128xf32, #tpu.memory_space<hbm>>
      tpu.wait_indirect_dma semaphore(%arg9 : memref<!tpu.dma_semaphore, #tpu.memory_space<semaphore_mem>>) src(%dma_wait3A_271 : memref<1000000x128xf32, #tpu.memory_space<hbm>>) dst(%dma_wait3A_267 : memref<128x128xf32, #tpu.memory_space<vmem>>)
      %add3A_272 = arith.constant 1 : i32
      %add3A_273 = arith.addi %add3A_159, %add3A_272 : i32
      %dma_start3A_274 = arith.constant 0 : i32
      %dma_start3A_275 = arith.constant 0 : i32
      %dma_start3A_276 = tpu.memref_slice %arg4[%add3A, %add3A_273, %dma_start3A_274, %dma_start3A_275] : memref<32x25x256x128xf32, #tpu.memory_space<hbm>> -> memref<1x1x256x128xf32, #tpu.memory_space<hbm>>
      %dma_start3A_277 = tpu.memref_squeeze %dma_start3A_276 : memref<1x1x256x128xf32, #tpu.memory_space<hbm>> -> memref<256x128xf32, #tpu.memory_space<hbm>>
      %dma_start3A_278 = arith.constant 0 : i32
      %dma_start3A_279 = arith.constant 0 : i32
      %dma_start3A_280 = tpu.memref_slice %arg4[%add3A, %add3A_273, %dma_start3A_278, %dma_start3A_279] : memref<32x25x256x128xf32, #tpu.memory_space<hbm>> -> memref<1x1x256x128xf32, #tpu.memory_space<hbm>>
      %dma_start3A_281 = tpu.memref_squeeze %dma_start3A_280 : memref<1x1x256x128xf32, #tpu.memory_space<hbm>> -> memref<256x128xf32, #tpu.memory_space<hbm>>
      tpu.enqueue_dma source(%arg7 : memref<256x128xf32, #tpu.memory_space<vmem>>) target(%dma_start3A_281 : memref<256x128xf32, #tpu.memory_space<hbm>>) target_semaphore(%arg11 : memref<!tpu.dma_semaphore, #tpu.memory_space<semaphore_mem>>)
    }
    %scan3A_86 = arith.constant 11 : i32
    %dma_wait3A_87 = arith.constant 0 : i32
    %dma_wait3A_88 = arith.constant 0 : i32
    %dma_wait3A_89 = arith.constant 0 : i32
    %dma_wait3A_90 = tpu.memref_slice %arg4[%add3A, %dma_wait3A_87, %dma_wait3A_88, %dma_wait3A_89] : memref<32x25x256x128xf32, #tpu.memory_space<hbm>> -> memref<1x1x256x128xf32, #tpu.memory_space<hbm>>
    %dma_wait3A_91 = tpu.memref_squeeze %dma_wait3A_90 : memref<1x1x256x128xf32, #tpu.memory_space<hbm>> -> memref<256x128xf32, #tpu.memory_space<hbm>>
    %dma_wait3A_92 = arith.constant 0 : i32
    %dma_wait3A_93 = arith.constant 0 : i32
    %dma_wait3A_94 = tpu.memref_slice %arg4[%add3A, %dma_wait3A_87, %dma_wait3A_92, %dma_wait3A_93] : memref<32x25x256x128xf32, #tpu.memory_space<hbm>> -> memref<1x1x256x128xf32, #tpu.memory_space<hbm>>
    %dma_wait3A_95 = tpu.memref_squeeze %dma_wait3A_94 : memref<1x1x256x128xf32, #tpu.memory_space<hbm>> -> memref<256x128xf32, #tpu.memory_space<hbm>>
    tpu.wait_dma2 semaphore(%arg10 : memref<!tpu.dma_semaphore, #tpu.memory_space<semaphore_mem>>) src(%arg6 : memref<256x128xf32, #tpu.memory_space<vmem>>) dst(%dma_wait3A_95 : memref<256x128xf32, #tpu.memory_space<hbm>>)
    %dma_start3A_96 = arith.constant 0 : i32
    %dma_start3A_97 = arith.constant 0 : i32
    %dma_start3A_98 = tpu.memref_slice %arg6[%dma_start3A_96, %dma_start3A_97] : memref<256x128xf32, #tpu.memory_space<vmem>> -> memref<128x128xf32, #tpu.memory_space<vmem>>
    %dma_start3A_99 = arith.constant 6144 : i32
    %dma_start3A_100 = tpu.memref_slice %arg5[%dma_start3A_99] : memref<6400xi32, #tpu.memory_space<vmem>> -> memref<128xi32, #tpu.memory_space<vmem>>
    %dma_start3A_101 = arith.constant 0 : i32
    %dma_start3A_102 = arith.constant 0 : i32
    %dma_start3A_103 = tpu.memref_slice %arg2[%dma_start3A_101, %dma_start3A_102] : memref<1000000x128xf32, #tpu.memory_space<hbm>> -> memref<1000000x128xf32, #tpu.memory_space<hbm>>
    tpu.enqueue_indirect_dma source(%dma_start3A_103 : memref<1000000x128xf32, #tpu.memory_space<hbm>>) target(%dma_start3A_98 : memref<128x128xf32, #tpu.memory_space<vmem>>) offsets(%dma_start3A_100 : memref<128xi32, #tpu.memory_space<vmem>>) semaphore(%arg8 : memref<!tpu.dma_semaphore, #tpu.memory_space<semaphore_mem>>)
    %dma_start3A_104 = arith.constant 128 : i32
    %dma_start3A_105 = arith.constant 0 : i32
    %dma_start3A_106 = tpu.memref_slice %arg6[%dma_start3A_104, %dma_start3A_105] : memref<256x128xf32, #tpu.memory_space<vmem>> -> memref<128x128xf32, #tpu.memory_space<vmem>>
    %dma_start3A_107 = arith.constant 6272 : i32
    %dma_start3A_108 = tpu.memref_slice %arg5[%dma_start3A_107] : memref<6400xi32, #tpu.memory_space<vmem>> -> memref<128xi32, #tpu.memory_space<vmem>>
    %dma_start3A_109 = arith.constant 0 : i32
    %dma_start3A_110 = arith.constant 0 : i32
    %dma_start3A_111 = tpu.memref_slice %arg2[%dma_start3A_109, %dma_start3A_110] : memref<1000000x128xf32, #tpu.memory_space<hbm>> -> memref<1000000x128xf32, #tpu.memory_space<hbm>>
    tpu.enqueue_indirect_dma source(%dma_start3A_111 : memref<1000000x128xf32, #tpu.memory_space<hbm>>) target(%dma_start3A_106 : memref<128x128xf32, #tpu.memory_space<vmem>>) offsets(%dma_start3A_108 : memref<128xi32, #tpu.memory_space<vmem>>) semaphore(%arg8 : memref<!tpu.dma_semaphore, #tpu.memory_space<semaphore_mem>>)
    %dma_wait3A_112 = arith.constant 0 : i32
    %dma_wait3A_113 = arith.constant 0 : i32
    %dma_wait3A_114 = tpu.memref_slice %arg6[%dma_wait3A_112, %dma_wait3A_113] : memref<256x128xf32, #tpu.memory_space<vmem>> -> memref<128x128xf32, #tpu.memory_space<vmem>>
    %dma_wait3A_115 = arith.constant 6144 : i32
    %dma_wait3A_116 = tpu.memref_slice %arg5[%dma_wait3A_115] : memref<6400xi32, #tpu.memory_space<vmem>> -> memref<128xi32, #tpu.memory_space<vmem>>
    %dma_wait3A_117 = arith.constant 0 : i32
    %dma_wait3A_118 = arith.constant 0 : i32
    %dma_wait3A_119 = tpu.memref_slice %arg2[%dma_wait3A_117, %dma_wait3A_118] : memref<1000000x128xf32, #tpu.memory_space<hbm>> -> memref<1000000x128xf32, #tpu.memory_space<hbm>>
    tpu.wait_indirect_dma semaphore(%arg8 : memref<!tpu.dma_semaphore, #tpu.memory_space<semaphore_mem>>) src(%dma_wait3A_119 : memref<1000000x128xf32, #tpu.memory_space<hbm>>) dst(%dma_wait3A_114 : memref<128x128xf32, #tpu.memory_space<vmem>>)
    %dma_wait3A_120 = arith.constant 128 : i32
    %dma_wait3A_121 = arith.constant 0 : i32
    %dma_wait3A_122 = tpu.memref_slice %arg6[%dma_wait3A_120, %dma_wait3A_121] : memref<256x128xf32, #tpu.memory_space<vmem>> -> memref<128x128xf32, #tpu.memory_space<vmem>>
    %dma_wait3A_123 = arith.constant 6272 : i32
    %dma_wait3A_124 = tpu.memref_slice %arg5[%dma_wait3A_123] : memref<6400xi32, #tpu.memory_space<vmem>> -> memref<128xi32, #tpu.memory_space<vmem>>
    %dma_wait3A_125 = arith.constant 0 : i32
    %dma_wait3A_126 = arith.constant 0 : i32
    %dma_wait3A_127 = tpu.memref_slice %arg2[%dma_wait3A_125, %dma_wait3A_126] : memref<1000000x128xf32, #tpu.memory_space<hbm>> -> memref<1000000x128xf32, #tpu.memory_space<hbm>>
    tpu.wait_indirect_dma semaphore(%arg8 : memref<!tpu.dma_semaphore, #tpu.memory_space<semaphore_mem>>) src(%dma_wait3A_127 : memref<1000000x128xf32, #tpu.memory_space<hbm>>) dst(%dma_wait3A_122 : memref<128x128xf32, #tpu.memory_space<vmem>>)
    %dma_start3A_128 = arith.constant 24 : i32
    %dma_start3A_129 = arith.constant 0 : i32
    %dma_start3A_130 = arith.constant 0 : i32
    %dma_start3A_131 = tpu.memref_slice %arg4[%add3A, %dma_start3A_128, %dma_start3A_129, %dma_start3A_130] : memref<32x25x256x128xf32, #tpu.memory_space<hbm>> -> memref<1x1x256x128xf32, #tpu.memory_space<hbm>>
    %dma_start3A_132 = tpu.memref_squeeze %dma_start3A_131 : memref<1x1x256x128xf32, #tpu.memory_space<hbm>> -> memref<256x128xf32, #tpu.memory_space<hbm>>
    %dma_start3A_133 = arith.constant 0 : i32
    %dma_start3A_134 = arith.constant 0 : i32
    %dma_start3A_135 = tpu.memref_slice %arg4[%add3A, %dma_start3A_128, %dma_start3A_133, %dma_start3A_134] : memref<32x25x256x128xf32, #tpu.memory_space<hbm>> -> memref<1x1x256x128xf32, #tpu.memory_space<hbm>>
    %dma_start3A_136 = tpu.memref_squeeze %dma_start3A_135 : memref<1x1x256x128xf32, #tpu.memory_space<hbm>> -> memref<256x128xf32, #tpu.memory_space<hbm>>
    tpu.enqueue_dma source(%arg6 : memref<256x128xf32, #tpu.memory_space<vmem>>) target(%dma_start3A_136 : memref<256x128xf32, #tpu.memory_space<hbm>>) target_semaphore(%arg10 : memref<!tpu.dma_semaphore, #tpu.memory_space<semaphore_mem>>)
    %dma_wait3A_137 = arith.constant 0 : i32
    %dma_wait3A_138 = arith.constant 0 : i32
    %dma_wait3A_139 = arith.constant 0 : i32
    %dma_wait3A_140 = tpu.memref_slice %arg4[%add3A, %dma_wait3A_137, %dma_wait3A_138, %dma_wait3A_139] : memref<32x25x256x128xf32, #tpu.memory_space<hbm>> -> memref<1x1x256x128xf32, #tpu.memory_space<hbm>>
    %dma_wait3A_141 = tpu.memref_squeeze %dma_wait3A_140 : memref<1x1x256x128xf32, #tpu.memory_space<hbm>> -> memref<256x128xf32, #tpu.memory_space<hbm>>
    %dma_wait3A_142 = arith.constant 0 : i32
    %dma_wait3A_143 = arith.constant 0 : i32
    %dma_wait3A_144 = tpu.memref_slice %arg4[%add3A, %dma_wait3A_137, %dma_wait3A_142, %dma_wait3A_143] : memref<32x25x256x128xf32, #tpu.memory_space<hbm>> -> memref<1x1x256x128xf32, #tpu.memory_space<hbm>>
    %dma_wait3A_145 = tpu.memref_squeeze %dma_wait3A_144 : memref<1x1x256x128xf32, #tpu.memory_space<hbm>> -> memref<256x128xf32, #tpu.memory_space<hbm>>
    tpu.wait_dma2 semaphore(%arg10 : memref<!tpu.dma_semaphore, #tpu.memory_space<semaphore_mem>>) src(%arg6 : memref<256x128xf32, #tpu.memory_space<vmem>>) dst(%dma_wait3A_145 : memref<256x128xf32, #tpu.memory_space<hbm>>)
    %dma_wait3A_146 = arith.constant 0 : i32
    %dma_wait3A_147 = arith.constant 0 : i32
    %dma_wait3A_148 = arith.constant 0 : i32
    %dma_wait3A_149 = tpu.memref_slice %arg4[%add3A, %dma_wait3A_146, %dma_wait3A_147, %dma_wait3A_148] : memref<32x25x256x128xf32, #tpu.memory_space<hbm>> -> memref<1x1x256x128xf32, #tpu.memory_space<hbm>>
    %dma_wait3A_150 = tpu.memref_squeeze %dma_wait3A_149 : memref<1x1x256x128xf32, #tpu.memory_space<hbm>> -> memref<256x128xf32, #tpu.memory_space<hbm>>
    %dma_wait3A_151 = arith.constant 0 : i32
    %dma_wait3A_152 = arith.constant 0 : i32
    %dma_wait3A_153 = tpu.memref_slice %arg4[%add3A, %dma_wait3A_146, %dma_wait3A_151, %dma_wait3A_152] : memref<32x25x256x128xf32, #tpu.memory_space<hbm>> -> memref<1x1x256x128xf32, #tpu.memory_space<hbm>>
    %dma_wait3A_154 = tpu.memref_squeeze %dma_wait3A_153 : memref<1x1x256x128xf32, #tpu.memory_space<hbm>> -> memref<256x128xf32, #tpu.memory_space<hbm>>
    tpu.wait_dma2 semaphore(%arg11 : memref<!tpu.dma_semaphore, #tpu.memory_space<semaphore_mem>>) src(%arg7 : memref<256x128xf32, #tpu.memory_space<vmem>>) dst(%dma_wait3A_154 : memref<256x128xf32, #tpu.memory_space<hbm>>)
    return
  }
}

</mosaic_0001>

<sc_bundles>
// kernel: kernel.3.cloned.1.call-start
scs
__scs_entry_jumppad:
0x0: {  	(pc) =	sbr.rel $0x88, $3  }
0x1: {  	(tag) =	ssettag $0x0;
	lr =	simm.s32 $0x1  }
0x2: {  	[smem:$0x3F9F] =	sst lr;
	_ =	strace $0xD0000000  }
0x3: {  	_ = 	snop  }
0x4: {  	_ = 	snop  }
0x5: {  	_ = 	snop  }
0x6: {  	_ = 	snop  }
0x7: {  	_ = 	snop  }
__scs_overlays_trampoline_lowered:
0x8: {  	[smem:$0x3FAE] =	sst s0  }
0x9: {  	[smem:$0x3FAF] =	sst s1  }
0xa: {  	[smem:$0x3FB0] =	sst s2  }
0xb: {  	[smem:$0x3FB1] =	sst s3  }
0xc: {  	[smem:$0x3FB2] =	sst s4  }
0xd: {  	[smem:$0x3FB3] =	sst s5  }
0xe: {  	[smem:$0x3FB4] =	sst s6  }
0xf: {  	[smem:$0x3FB5] =	sst s7  }
0x10: {  	[smem:$0x3FB6] =	sst s8  }
0x11: {  	[smem:$0x3FB7] =	sst s9;
	s0 =	simm.s32 @!p0 $0x0  }
0x12: {  	s1 =	sld [smem:$0x3F9D];
	s0 =	simm.s32 @p0 $0x1  }
0x13: {  	[smem:$0x3FB8] =	sst s0;
	s0 =	simm.s32 @!p1 $0x0  }
0x14: {  	s2 =	sld [smem:$0x3F9C];
	s0 =	simm.s32 @p1 $0x1  }
0x15: {  	[smem:$0x3FB9] =	sst s0;
	s0 =	simm.s32 @!p2 $0x0  }
0x16: {  	s3 =	sld [smem:$0x3FDB];
	s0 =	simm.s32 @p2 $0x1  }
0x17: {  	s4 =	simm.s32 $0x1BF5;
	[smem:$0x3FBB] =	sst s0  }
0x18: {  	s0 =	sld [smem:$0x3F9E];
	_ =	swait.ge [sflag:s4], $0x0  }
0x19: {  	s7 =	sld [smem:$0x3F9F]  }
0x1a: {  	s8 =	sadd.s32 $0xFFFFE003, lr  }
0x1b: {  	s9 =	sadd.s32 $0xFFFFFEF7, lr;
	s5 =	simm.s32 $0xFFFFFFFF;
	p2 =	slt.u32 s8, $0xFFFFF086  }
0x1c: {  	p1 =	slt.u32 s9, $0xF7A;
	s5 =	simm.s32 @!p2 $0x0  }
0x1d: {  	s5 =	simm.s32 @p1 $0x1;
	p0 =	seq.s32 s7, s2  }
0x1e: {  	s7 =	smul.u32 @!p0 $0xF7A, s2;
	p2 =	seq.s32 @!p0 s5, $0x0  }
0x1f: {  	s9 =	smul.u32 $0xF7A, s1;
	s8 =	simm.s32 @!p0 $0x1BF5;
	p2 =	por !p2, p0  }
0x20: {  	[sflag:s8] =	ssyncset.s32 @!p0 $0xFFFFF086;
	s6 =	sadd.s32 @!p0 s3, s7;
	s7 =	simm.s32 @!p0 $0x108  }
0x21: {  	s3 =	sadd.s32 s3, s9;
	s6 =	sadd.s32 @!p0 $0x88, s6;
	s7 =	simm.s32 @p2 $0x1082  }
0x22: {  	[simem:s7], [sflag:s8] =	dma.local @!p0 [hbm:s6], $0xF7A  }
0x23: {  	s9 =	sor.u32 $0xD0000000, s2;
	s6 =	simm.s32 $0x108;
	_ =	swait.ge @!p0 [sflag:s8], $0x0  }
0x24: {  	s3 =	sadd.s32 $0x88, s3;
	s6 =	simm.s32 @!p1 $0x1082;
	[sflag:s4] =	ssyncset.s32 $0xFFFFF086  }
0x25: {  	[simem:s6], [sflag:s4] =	dma.local [hbm:s3], $0xF7A  }
0x26: {  	[smem:$0x3F9F] =	sst s1;
	(tag) =	ssettag s2;
	_ =	strace s9  }
0x27: {  	s1 =	sld [smem:$0x3FAF]  }
0x28: {  	s2 =	sld [smem:$0x3FB0]  }
0x29: {  	s4 =	sld [smem:$0x3FB2]  }
0x2a: {  	p0 =	seq.s32 s5, $0x0;
	s5 =	sld [smem:$0x3FB3]  }
0x2b: {  	s6 =	sld [smem:$0x3FB4]  }
0x2c: {  	s7 =	sld [smem:$0x3FB5]  }
0x2d: {  	s3 =	simm.s32 $0x108;
	s8 =	sld [smem:$0x3FB6]  }
0x2e: {  	s3 =	simm.s32 @!p0 $0x1082;
	s9 =	sld [smem:$0x3FB7]  }
0x2f: {  	lr =	sadd.s32 s0, s3;
	s0 =	sld [smem:$0x3FAE]  }
0x30: {  	s3 =	sld [smem:$0x3FB1]  }
0x31: {  	[smem:$0x3FBA] =	sst s10  }
0x32: {  	s10 =	sld [smem:$0x3FB8];
	_ =	sdelay $0x3  }
0x33: {  	p0 =	seq.s32 s10, $0x1;
	s10 =	sld [smem:$0x3FBA];
	_ =	sdelay $0x3  }
0x34: {  	[smem:$0x3FBA] =	sst s10  }
0x35: {  	s10 =	sld [smem:$0x3FB9];
	_ =	sdelay $0x3  }
0x36: {  	p1 =	seq.s32 s10, $0x1;
	s10 =	sld [smem:$0x3FBA];
	_ =	sdelay $0x3  }
0x37: {  	[smem:$0x3FBA] =	sst s10  }
0x38: {  	s10 =	sld [smem:$0x3FBB]  }
0x39: {  	_ = 	snop;
	(pc) =	sbr.ind lr, $3  }
0x3a: {  	_ = 	snop  }
0x3b: {  	_ = 	snop  }
0x3c: {  	p2 =	seq.s32 s10, $0x1;
	s10 =	sld [smem:$0x3FBA]  }
0x3d: {  	_ =	shalt  }
0x3e: {  	_ =	shalt  }
0x3f: {  	_ =	shalt  }
0x40: {  	_ =	shalt  }
0x41: {  	_ =	shalt  }
0x42: {  	_ =	shalt  }
0x43: {  	_ =	shalt  }
0x44: {  	_ =	shalt  }
0x45: {  	_ =	shalt  }
0x46: {  	_ =	shalt  }
0x47: {  	_ =	shalt  }
0x48: {  	_ =	shalt  }
0x49: {  	_ =	shalt  }
0x4a: {  	_ =	shalt  }
0x4b: {  	_ =	shalt  }
0x4c: {  	_ =	shalt  }
0x4d: {  	_ =	shalt  }
0x4e: {  	_ =	shalt  }
0x4f: {  	_ =	shalt  }
0x50: {  	_ =	shalt  }
0x51: {  	_ =	shalt  }
0x52: {  	_ =	shalt  }
0x53: {  	_ =	shalt  }
0x54: {  	_ =	shalt  }
0x55: {  	_ =	shalt  }
0x56: {  	_ =	shalt  }
0x57: {  	_ =	shalt  }
0x58: {  	_ =	shalt  }
0x59: {  	_ =	shalt  }
0x5a: {  	_ =	shalt  }
0x5b: {  	_ =	shalt  }
0x5c: {  	_ =	shalt  }
0x5d: {  	_ =	shalt  }
0x5e: {  	_ =	shalt  }
0x5f: {  	_ =	shalt  }
0x60: {  	_ =	shalt  }
0x61: {  	_ =	shalt  }
0x62: {  	_ =	shalt  }
0x63: {  	_ =	shalt  }
0x64: {  	_ =	shalt  }
0x65: {  	_ =	shalt  }
0x66: {  	_ =	shalt  }
0x67: {  	_ =	shalt  }
0x68: {  	_ =	shalt  }
0x69: {  	_ =	shalt  }
0x6a: {  	_ =	shalt  }
0x6b: {  	_ =	shalt  }
0x6c: {  	_ =	shalt  }
0x6d: {  	_ =	shalt  }
0x6e: {  	_ =	shalt  }
0x6f: {  	_ =	shalt  }
0x70: {  	_ =	shalt  }
0x71: {  	_ =	shalt  }
0x72: {  	_ =	shalt  }
0x73: {  	_ =	shalt  }
0x74: {  	_ =	shalt  }
0x75: {  	_ =	shalt  }
0x76: {  	_ =	shalt  }
0x77: {  	_ =	shalt  }
0x78: {  	_ =	shalt  }
0x79: {  	_ =	shalt  }
0x7a: {  	_ =	shalt  }
0x7b: {  	_ =	shalt  }
0x7c: {  	_ =	shalt  }
0x7d: {  	_ =	shalt  }
0x7e: {  	_ =	shalt  }
0x7f: {  	_ =	shalt  }
0x80: {  	_ =	shalt  }
0x81: {  	_ =	shalt  }
0x82: {  	_ =	shalt  }
0x83: {  	_ =	shalt  }
0x84: {  	_ =	shalt  }
0x85: {  	_ =	shalt  }
0x86: {  	_ =	shalt  }
0x87: {  	_ =	shalt  }
.Lfunc_end0:
.L_simem_size_0:
called_computation.1_lowered:
.L_overlay_start_0:
0x88: {  	s2 =	sld [smem:$0x3FD9]  }
0x89: {  	s3 =	sld [smem:$0x3FFE];
	_ =	sdelay $0x1  }
0x8a: {  	s1 =	srdreg.scid  }
0x8b: {  	s0 =	sand.u32 $0x1, s1  }
0x8c: {  	s17 =	sshll.u32 s0, $0xA;
	s2 =	sadd.s32 s3, s2  }
0x8d: {  	s2 =	sadd.s32 s2, s17  }
0x8e: {  	[smem:$0x3FC6] =	sst s2  }
0x8f: {  	_ = 	snop  }
0x90: {  	s2 =	sld [smem:$0x3FC9];
	(tm) =	ssettm $0x1  }
0x91: {  	s18 =	sld [smem:$0x3FFB];
	_ =	sdelay $0x3  }
0x92: {  	_ =	strace s18  }
0x93: {  	s3 =	sld [smem:$0x3FFC];
	_ =	sdelay $0x3  }
0x94: {  	_ =	strace s3  }
0x95: {  	s3 =	sld [smem:$0x3FFD];
	_ =	sdelay $0x3  }
0x96: {  	_ =	strace s3  }
0x97: {  	_ =	strace $0x8FFFFFFF  }
0x98: {  	s19 =	sld [smem:$0x3FDB];
	_ =	sdelay $0x1  }
0x99: {  	s4 =	simm.s32 $_scs_section_size  }
0x9a: {  	s5 =	simm.s32 $_size__tile_overlayer_lowered;
	s6 =	simm.s32 $_tile_overlayer_lowered  }
0x9b: {  	s22 =	simm.s32 $0x1BFF;
	s21 =	sshll.u32 s6, $0x1;
	s3 =	sadd.s32 s4, s19  }
0x9c: {  	s7 =	simm.s32 $0x0;
	s20 =	sshll.u32 s5, $0x1;
	s5 =	sadd.s32 s21, s3  }
0x9d: {  	[timem:s7], [sflag:s22] =	dma.local [hbm:s5], s20  }
0x9e: {  	_ =	swait.ge [sflag:s22], s20  }
0x9f: {  	s4 =	ssub.s32 $0x0, s20;
	[sflag:s22] =	ssyncset.done $0x0  }
0xa0: {  	[sflag:s22] =	ssyncadd.s32 s4;
	_ =	sdelay $0x1  }
0xa1: {  	s23 =	simm.s32 $0x1B8B  }
0xa2: {  	_ =	swait.ge [sflag:s23], $0x1  }
0xa3: {  	[sflag:s23] =	ssyncset.done $0x0  }
0xa4: {  	s25 =	simm.s32 $0x1B8E;
	s24 =	sld [smem:$0x3FFE];
	[sflag:s23] =	ssyncadd.s32 $0xFFFFFFFF  }
0xa5: {  	s26 =	simm.s32 $execute0_lowered;
	[smem:$0x3FD2] =	sst s25  }
0xa6: {  	s5 =	sshll.u32 s26, $0x1;
	_ =	strace $0x80000046;
	[dreg:$0x1] =	wrdreg $0xFFFFFFFF  }
0xa7: {  	s28 =	simm.s32 $_size_execute0_lowered;
	s3 =	sadd.s32 s3, s5;
	[dreg:$0x0] =	wrdreg $0x0  }
0xa8: {  	s5 =	sshll.u32 s28, $0x1;
	[dreg:$0x2] =	wrdreg s3  }
0xa9: {  	[dreg:$0x3] =	wrdreg s5  }
0xaa: {  	[dreg:$0x4] =	wrdreg $0xC0  }
0xab: {  	_ =	task [dreg:s7], $0x5FFFF  }
0xac: {  	[dreg:$0x1] =	wrdreg $0xFFFFFFFF  }
0xad: {  	[dreg:$0x0] =	wrdreg $0x60  }
0xae: {  	[dreg:$0x2] =	wrdreg s24  }
0xaf: {  	[dreg:$0x3] =	wrdreg s2  }
0xb0: {  	[dreg:$0x4] =	wrdreg $0x9  }
0xb1: {  	_ =	task.clear_ibuf [dreg:s7], $0x5FFFF;
	_ =	strace $0x90000046  }
0xb2: {  	s29 =	simm.s32 $0x9;
	_ =	strace $0x80000048  }
0xb3: {  	_ =	swait.ge [sflag:s29], $0x1  }
0xb4: {  	[sflag:s29] =	ssyncadd.s32 $0xFFFFFFFF  }
0xb5: {  	_ =	strace $0x90000048  }
0xb6: {  	_ =	sfence  }
0xb7: {  	s30 =	sld [smem:$0x0];
	_ =	sdelay $0x2  }
0xb8: {  	s31 =	sshll.u32 s1, $0xD;
	s1 =	sshrl.u32 s1, $0x2  }
0xb9: {  	s3 =	sand.u32 $0x4000, s31;
	s1 =	sadd.s32 s1, s30  }
0xba: {  	s0 =	sor.u32 s3, s0;
	s1 =	sshll.u32 s1, $0x11  }
0xbb: {  	s0 =	sor.u32 s1, s0  }
0xbc: {  	s0 =	sadd.s32 $0x8F2B, s0  }
0xbd: {  	[sflag:s0] =	ssyncadd.remote.s32 $0x1  }
0xbe: {  	_ =	sfence.sel $0xFFFF  }
0xbf: {  	[dreg:$0x0] =	wrdreg $0xFFFFFFFF;
	(pc) =	sbr.abs _section_cstart, $3  }
0xc0: {  	[dreg:$0x1] =	wrdreg $0xFFFFFFFF  }
0xc1: {  	_ =	task.clear_ibuf [dreg:s7], $0x2FFFF;
	_ =	strace $0x9FFFFFFF  }
0xc2: {  	(tm) =	ssettm $0x7FFFFFFF  }
0xc3: {  	_ =	shalt  }
tec
execute0_lowered:
.L_overlay_start_1:
0x0: {  	(tag) =	ssettag $0x1  }
0x1: {  	s4 =	rddreg [dreg:$0x0]  }
0x2: {  	s1 =	srdreg.scid;
	s0 =	stileid.u32  }
0x3: {  	s5 =	rddreg [dreg:$0x1];
	s2 =	simm.s32 $0x0;
	s13 =	simm.s32 $0x80  }
0x4: {  	s14 =	simm.s32 $0x1900;
	s15 =	simm.s32 $0x5900;
	s16 =	simm.s32 $0x1  }
0x5: {  	s17 =	simm.s32 $0x100;
	s18 =	simm.s32 $0x9900;
	s19 =	simm.s32 $0x180  }
0x6: {  	s20 =	simm.s32 $0xD900;
	s21 =	simm.s32 $0x2;
	s22 =	simm.s32 $0x3  }
0x7: {  	s23 =	simm.s32 $0x4;
	s24 =	simm.s32 $0x1800;
	s25 =	simm.s32 $0x1880  }
0x8: {  	s26 =	simm.s32 $0x0;
	s6 =	sand.u32 $0x1, s1;
	s3 =	sshll.u32 s0, $0x1  }
0x9: {  	[smem:$0x7FF] =	sst s2;
	s9 =	smul.u32 $0x190000, s0;
	s7 =	sor.u32 s6, s3  }
0xa: {  	_ =	strace $0x80000047;
	s10 =	ssub.s32 $0x2, s6;
	s6 =	smul.u32 $0xC8000, s6  }
0xb: {  	s3 =	sadd.s32 $0xF42C00, s4;
	s4 =	sadd.s32 $0x800, s4;
	s8 =	smul.u32 $0xC8000, s7  }
0xc: {  	s11 =	sshrl.u32 s10, $0x1;
	s7 =	smul.u32 $0x320, s7;
	s31 =	sadd.s32 s6, s9  }
0xd: {  	s10 =	ssub.s32 s10, s11;
	s8 =	sshrl.u32 s8, $0x3;
	s9 =	sadd.s32 $0x18000, s31  }
0xe: {  	s5 =	sadd.s32 s5, s7;
	s6 =	sadd.s32 s4, s8;
	s12 =	sshrl.u32 s9, $0x3  }
0xf: {  	s9 =	smax.u32 s10, $0x1;
	s10 =	sadd.s32 $0x10000, s31;
	s7 =	sadd.s32 $0x1000, s6  }
0x10: {  	s8 =	sadd.s32 $0x18000, s6;
	s11 =	sadd.s32 s12, s4;
	s12 =	simm.s32 $0x5  }
.LBB2_1:
0x11: {  	[tilespmem:s2], [sflag:$0x5] =	stream.linear.gather [hbm4b:s5+s2], $0x1900, $0x38;
	[tilespmem:$0x11900] =	vst v63  }
0x12: {  	_ =	swait.ge [sflag:s12], $0x1900  }
0x13: {  	[sflag:s12] =	ssyncset.done $0x0  }
0x14: {  	[sflag:s12] =	ssyncadd.s32 $0xFFFFE700  }
0x15: {  	[tilespmem:s14], [sflag:$0x1] =	stream.indirect.gather [hbm4b:s3+s13], $0x80, s2, s13, $0xb8;
	[tilespmem:$0x11900] =	vst v63  }
0x16: {  	_ = 	snop  }
0x17: {  	[tilespmem:s15], [sflag:$0x1] =	stream.indirect.gather [hbm4b:s3+s13], $0x80, s13, s13, $0xb8;
	[tilespmem:$0x11900] =	vst v63  }
0x18: {  	_ =	swait.ge [sflag:s16], $0x4000  }
0x19: {  	[sflag:s16] =	ssyncset.done $0x0  }
0x1a: {  	[sflag:s16] =	ssyncadd.s32 $0xFFFFC000  }
0x1b: {  	_ =	swait.ge [sflag:s16], $0x4000  }
0x1c: {  	[sflag:s16] =	ssyncset.done $0x0  }
0x1d: {  	[sflag:s16] =	ssyncadd.s32 $0xFFFFC000  }
0x1e: {  	[hbm4b:s6+s2] =	stream.linear.scatter [tilespmem:s14], [sflag:$0x3], $0x8000, $0x38;
	[tilespmem:$0x11900] =	vst v63  }
0x1f: {  	_ = 	snop  }
0x20: {  	[tilespmem:s18], [sflag:$0x2] =	stream.indirect.gather [hbm4b:s3+s13], $0x80, s17, s13, $0xb8;
	[tilespmem:$0x11900] =	vst v63  }
0x21: {  	_ = 	snop  }
0x22: {  	[tilespmem:s20], [sflag:$0x2] =	stream.indirect.gather [hbm4b:s3+s13], $0x80, s19, s13, $0xb8;
	[tilespmem:$0x11900] =	vst v63  }
0x23: {  	_ =	swait.ge [sflag:s21], $0x4000  }
0x24: {  	[sflag:s21] =	ssyncset.done $0x0  }
0x25: {  	[sflag:s21] =	ssyncadd.s32 $0xFFFFC000  }
0x26: {  	_ =	swait.ge [sflag:s21], $0x4000  }
0x27: {  	[sflag:s21] =	ssyncset.done $0x0  }
0x28: {  	[sflag:s21] =	ssyncadd.s32 $0xFFFFC000  }
0x29: {  	[hbm4b:s7+s2] =	stream.linear.scatter [tilespmem:s18], [sflag:$0x4], $0x8000, $0x38;
	[tilespmem:$0x11900] =	vst v63  }
0x2a: {  	_ =	swait.ge [sflag:s22], $0x8000  }
0x2b: {  	[sflag:s22] =	ssyncset.done $0x0  }
0x2c: {  	s28 =	simm.s32 $0x200;
	[sflag:s22] =	ssyncadd.s32 $0xFFFF8000  }
0x2d: {  	[tilespmem:s14], [sflag:$0x1] =	stream.indirect.gather [hbm4b:s3+s13], $0x80, s28, s13, $0xb8;
	[tilespmem:$0x11900] =	vst v63  }
0x2e: {  	s28 =	simm.s32 $0x280  }
0x2f: {  	[tilespmem:s15], [sflag:$0x1] =	stream.indirect.gather [hbm4b:s3+s13], $0x80, s28, s13, $0xb8;
	[tilespmem:$0x11900] =	vst v63  }
0x30: {  	_ =	swait.ge [sflag:s16], $0x4000  }
0x31: {  	[sflag:s16] =	ssyncset.done $0x0  }
0x32: {  	[sflag:s16] =	ssyncadd.s32 $0xFFFFC000  }
0x33: {  	_ =	swait.ge [sflag:s16], $0x4000  }
0x34: {  	s28 =	sshrl.u32 s10, $0x3;
	[sflag:s16] =	ssyncset.done $0x0  }
0x35: {  	s28 =	sadd.s32 s4, s28;
	[sflag:s16] =	ssyncadd.s32 $0xFFFFC000  }
0x36: {  	[hbm4b:s28+s2] =	stream.linear.scatter [tilespmem:s14], [sflag:$0x3], $0x8000, $0x38;
	[tilespmem:$0x11900] =	vst v63  }
0x37: {  	_ =	swait.ge [sflag:s23], $0x8000  }
0x38: {  	[sflag:s23] =	ssyncset.done $0x0  }
0x39: {  	s28 =	simm.s32 $0x300;
	[sflag:s23] =	ssyncadd.s32 $0xFFFF8000  }
0x3a: {  	[tilespmem:s18], [sflag:$0x2] =	stream.indirect.gather [hbm4b:s3+s13], $0x80, s28, s13, $0xb8;
	[tilespmem:$0x11900] =	vst v63  }
0x3b: {  	s28 =	simm.s32 $0x380  }
0x3c: {  	[tilespmem:s20], [sflag:$0x2] =	stream.indirect.gather [hbm4b:s3+s13], $0x80, s28, s13, $0xb8;
	[tilespmem:$0x11900] =	vst v63  }
0x3d: {  	_ =	swait.ge [sflag:s21], $0x4000  }
0x3e: {  	[sflag:s21] =	ssyncset.done $0x0  }
0x3f: {  	[sflag:s21] =	ssyncadd.s32 $0xFFFFC000  }
0x40: {  	_ =	swait.ge [sflag:s21], $0x4000  }
0x41: {  	s29 =	sadd.s32 $0x10000, s10;
	s30 =	sadd.s32 $0x2000, s11;
	[sflag:s21] =	ssyncset.done $0x0  }
0x42: {  	s31 =	smov.u32 s11;
	s28 =	simm.s32 $0x800;
	[sflag:s21] =	ssyncadd.s32 $0xFFFFC000  }
.LBB2_2:
0x43: {  	[hbm4b:s31+s2] =	stream.linear.scatter [tilespmem:s18], [sflag:$0x4], $0x8000, $0x38;
	[tilespmem:$0x11900] =	vst v63  }
0x44: {  	s1 =	smov.u32 s28;
	s31 =	smov.u32 s30  }
0x45: {  	p0 =	sne.s32 s28, $0x5000;
	s28 =	sadd.s32 $0x800, s28;
	_ =	swait.ge [sflag:s22], $0x8000  }
0x46: {  	s1 =	sshra.s32 s1, $0x2;
	[sflag:s22] =	ssyncset.done $0x0  }
0x47: {  	s0 =	sadd.s32 $0x200, s1;
	[sflag:s22] =	ssyncadd.s32 $0xFFFF8000  }
0x48: {  	[tilespmem:s14], [sflag:$0x1] =	stream.indirect.gather [hbm4b:s3+s13], $0x80, s0, s13, $0xb8;
	[tilespmem:$0x11900] =	vst v63  }
0x49: {  	s0 =	sadd.s32 $0x280, s1  }
0x4a: {  	[tilespmem:s15], [sflag:$0x1] =	stream.indirect.gather [hbm4b:s3+s13], $0x80, s0, s13, $0xb8;
	[tilespmem:$0x11900] =	vst v63  }
0x4b: {  	_ =	swait.ge [sflag:s16], $0x4000  }
0x4c: {  	[sflag:s16] =	ssyncset.done $0x0  }
0x4d: {  	[sflag:s16] =	ssyncadd.s32 $0xFFFFC000  }
0x4e: {  	_ =	swait.ge [sflag:s16], $0x4000  }
0x4f: {  	s0 =	sshrl.u32 s29, $0x3;
	[sflag:s16] =	ssyncset.done $0x0  }
0x50: {  	s0 =	sadd.s32 s4, s0;
	[sflag:s16] =	ssyncadd.s32 $0xFFFFC000  }
0x51: {  	[hbm4b:s0+s2] =	stream.linear.scatter [tilespmem:s14], [sflag:$0x3], $0x8000, $0x38;
	[tilespmem:$0x11900] =	vst v63  }
0x52: {  	_ =	swait.ge [sflag:s23], $0x8000  }
0x53: {  	[sflag:s23] =	ssyncset.done $0x0  }
0x54: {  	s0 =	sadd.s32 $0x300, s1;
	[sflag:s23] =	ssyncadd.s32 $0xFFFF8000  }
0x55: {  	[tilespmem:s18], [sflag:$0x2] =	stream.indirect.gather [hbm4b:s3+s13], $0x80, s0, s13, $0xb8;
	[tilespmem:$0x11900] =	vst v63  }
0x56: {  	s0 =	sadd.s32 $0x380, s1  }
0x57: {  	[tilespmem:s20], [sflag:$0x2] =	stream.indirect.gather [hbm4b:s3+s13], $0x80, s0, s13, $0xb8;
	[tilespmem:$0x11900] =	vst v63  }
0x58: {  	_ =	swait.ge [sflag:s21], $0x4000  }
.Ltmp0:
0x59: {  	[sflag:s21] =	ssyncset.done $0x0;
	(pc) =	sbr.rel @p0 .LBB2_2-.Ltmp0, $4  }
0x5a: {  	[sflag:s21] =	ssyncadd.s32 $0xFFFFC000  }
0x5b: {  	_ =	swait.ge [sflag:s21], $0x4000  }
0x5c: {  	[sflag:s21] =	ssyncset.done $0x0  }
0x5d: {  	s30 =	sadd.s32 $0x2000, s30;
	s29 =	sadd.s32 $0x10000, s29;
	[sflag:s21] =	ssyncadd.s32 $0xFFFFC000  }
0x5e: {  	[hbm4b:s31+s2] =	stream.linear.scatter [tilespmem:s18], [sflag:$0x4], $0x8000, $0x38;
	[tilespmem:$0x11900] =	vst v63  }
0x5f: {  	_ =	swait.ge [sflag:s22], $0x8000  }
0x60: {  	[sflag:s22] =	ssyncset.done $0x0  }
0x61: {  	[sflag:s22] =	ssyncadd.s32 $0xFFFF8000  }
0x62: {  	[tilespmem:s14], [sflag:$0x1] =	stream.indirect.gather [hbm4b:s3+s13], $0x80, s24, s13, $0xb8;
	[tilespmem:$0x11900] =	vst v63  }
0x63: {  	_ = 	snop  }
0x64: {  	[tilespmem:s15], [sflag:$0x1] =	stream.indirect.gather [hbm4b:s3+s13], $0x80, s25, s13, $0xb8;
	[tilespmem:$0x11900] =	vst v63  }
0x65: {  	_ =	swait.ge [sflag:s16], $0x4000  }
0x66: {  	[sflag:s16] =	ssyncset.done $0x0  }
0x67: {  	[sflag:s16] =	ssyncadd.s32 $0xFFFFC000  }
0x68: {  	_ =	swait.ge [sflag:s16], $0x4000  }
0x69: {  	[sflag:s16] =	ssyncset.done $0x0  }
0x6a: {  	s26 =	sadd.s32 $0x1, s26;
	[sflag:s16] =	ssyncadd.s32 $0xFFFFC000  }
0x6b: {  	[hbm4b:s8+s2] =	stream.linear.scatter [tilespmem:s14], [sflag:$0x3], $0x8000, $0x38;
	[tilespmem:$0x11900] =	vst v63  }
0x6c: {  	p0 =	sne.s32 s26, s9;
	_ =	swait.ge [sflag:s22], $0x8000  }
.Ltmp1:
0x6d: {  	[sflag:s22] =	ssyncset.done $0x0;
	(pc) =	sbr.rel @p0 .LBB2_1-.Ltmp1, $4  }
0x6e: {  	[sflag:s22] =	ssyncadd.s32 $0xFFFF8000  }
0x6f: {  	_ =	swait.ge [sflag:s23], $0x8000  }
0x70: {  	[sflag:s23] =	ssyncset.done $0x0  }
0x71: {  	[sflag:s23] =	ssyncadd.s32 $0xFFFF8000  }
0x72: {  	_ =	sfence.sel $0x180000  }
0x73: {  	[bflag:$0x0] =	sbarrier.arrive $0xFFFF  }
0x74: {  	_ =	strace $0x90000047  }
0x75: {  	s0 =	stileid.u32;
	[bflag:$0x2] =	sbarrier.arrive $0xFFFF  }
0x76: {  	p0 =	sne.s32 s0, $0x0;
	s0 =	rddreg [dreg:$0x2]  }
0x77: {  	s0 =	sadd.s32 @!p0 $0x100000, s0  }
0x78: {  	[sflag:s0] =	ssyncadd.tile.s32 @!p0 $0x1;
	_ =	shalt  }
.Lfunc_end2:
_tile_overlayer_lowered:
.L_overlay_start_2:
0x79: {  	(tag) =	ssettag $0x2  }
0x7a: {  	s0 =	rddreg [dreg:$0x0];
	s2 =	stileid.u32  }
0x7b: {  	s1 =	rddreg [dreg:$0x1];
	p0 =	sne.s32 s2, $0x0  }
0x7c: {  	s3 =	rddreg [dreg:$0x2];
	[bflag:$0x3] =	sbarrier.arrive $0xFFFF;
	s2 =	simm.s32 @!p0 $0x1C05  }
0x7d: {  	[timem:s3], [sflag:s2] =	dma.local @!p0 [hbm:s0], s1  }
0x7e: {  	s0 =	simm.s32 @!p0 $0x5  }
0x7f: {  	_ =	swait.ge @!p0 [sflag:s0], s1  }
0x80: {  	s1 =	ssub.s32 @!p0 $0x0, s1;
	[sflag:s0] =	ssyncset.done @!p0 $0x0  }
0x81: {  	[sflag:s0] =	ssyncadd.s32 @!p0 s1  }
0x82: {  	[bflag:$0x3] =	sbarrier.arrive $0xFFFF  }
0x83: {  	_ =	shalt  }

// kernel: sparse-core-data-format-call.cloned.1.call-start
scs
called_computation_lowered:
.L_overlay_start_0:
0x0: {  	s2 =	sld [smem:$0x3FD9]  }
0x1: {  	s3 =	sld [smem:$0x3FFE];
	_ =	sdelay $0x1  }
0x2: {  	s1 =	srdreg.scid  }
0x3: {  	s0 =	sand.u32 $0x1, s1  }
0x4: {  	s18 =	sshll.u32 s0, $0xA;
	s2 =	sadd.s32 s3, s2  }
0x5: {  	s2 =	sadd.s32 s2, s18  }
0x6: {  	[smem:$0x3FC6] =	sst s2  }
0x7: {  	_ = 	snop  }
0x8: {  	s2 =	sld [smem:$0x3FD0];
	(tm) =	ssettm $0x1  }
0x9: {  	s19 =	sld [smem:$0x3FFB];
	_ =	sdelay $0x3  }
0xa: {  	_ =	strace s19  }
0xb: {  	s3 =	sld [smem:$0x3FFC];
	_ =	sdelay $0x3  }
0xc: {  	_ =	strace s3  }
0xd: {  	s3 =	sld [smem:$0x3FFD];
	_ =	sdelay $0x3  }
0xe: {  	_ =	strace s3  }
0xf: {  	_ =	strace $0x8FFFFFFF  }
0x10: {  	s20 =	sld [smem:$0x3FDB];
	_ =	sdelay $0x1  }
0x11: {  	s4 =	simm.s32 $_scs_section_size  }
0x12: {  	s5 =	simm.s32 $_size__tile_overlayer_lowered;
	s6 =	simm.s32 $_tile_overlayer_lowered  }
0x13: {  	s23 =	simm.s32 $0x1BFF;
	s22 =	sshll.u32 s6, $0x1;
	s3 =	sadd.s32 s4, s20  }
0x14: {  	s7 =	simm.s32 $0x0;
	s21 =	sshll.u32 s5, $0x1;
	s5 =	sadd.s32 s22, s3  }
0x15: {  	[timem:s7], [sflag:s23] =	dma.local [hbm:s5], s21  }
0x16: {  	_ =	swait.ge [sflag:s23], s21  }
0x17: {  	s4 =	ssub.s32 $0x0, s21;
	[sflag:s23] =	ssyncset.done $0x0  }
0x18: {  	[sflag:s23] =	ssyncadd.s32 s4;
	_ =	sdelay $0x1  }
0x19: {  	s24 =	simm.s32 $0x1B8B  }
0x1a: {  	_ =	swait.ge [sflag:s24], $0x1  }
0x1b: {  	[sflag:s24] =	ssyncset.done $0x0  }
0x1c: {  	s26 =	simm.s32 $0x1B8E;
	s25 =	sld [smem:$0x3FFE];
	[sflag:s24] =	ssyncadd.s32 $0xFFFFFFFF  }
0x1d: {  	s27 =	simm.s32 $execute0_lowered;
	[smem:$0x3FD2] =	sst s26  }
0x1e: {  	s5 =	sshll.u32 s27, $0x1;
	_ =	strace $0x80000049;
	[dreg:$0x1] =	wrdreg $0xFFFFFFFF  }
0x1f: {  	s28 =	simm.s32 $_size_execute0_lowered;
	s3 =	sadd.s32 s3, s5;
	[dreg:$0x0] =	wrdreg $0x0  }
0x20: {  	s5 =	sshll.u32 s28, $0x1;
	[dreg:$0x2] =	wrdreg s3  }
0x21: {  	[dreg:$0x3] =	wrdreg s5  }
0x22: {  	[dreg:$0x4] =	wrdreg $0xC0  }
0x23: {  	_ =	task [dreg:s7], $0x5FFFF  }
0x24: {  	[dreg:$0x1] =	wrdreg $0xFFFFFFFF  }
0x25: {  	[dreg:$0x0] =	wrdreg $0x60  }
0x26: {  	[dreg:$0x2] =	wrdreg s25  }
0x27: {  	[dreg:$0x3] =	wrdreg s2  }
0x28: {  	[dreg:$0x4] =	wrdreg $0x9  }
0x29: {  	_ =	task.clear_ibuf [dreg:s7], $0x5FFFF;
	_ =	strace $0x90000049  }
0x2a: {  	s29 =	simm.s32 $0x9;
	_ =	strace $0x8000004B  }
0x2b: {  	_ =	swait.ge [sflag:s29], $0x1  }
0x2c: {  	[sflag:s29] =	ssyncadd.s32 $0xFFFFFFFF  }
0x2d: {  	_ =	strace $0x9000004B  }
0x2e: {  	_ =	sfence  }
0x2f: {  	s30 =	sld [smem:$0x0];
	_ =	sdelay $0x2  }
0x30: {  	s31 =	sshll.u32 s1, $0xD;
	s1 =	sshrl.u32 s1, $0x2  }
0x31: {  	s3 =	sand.u32 $0x4000, s31;
	s1 =	sadd.s32 s1, s30  }
0x32: {  	s0 =	sor.u32 s3, s0;
	s1 =	sshll.u32 s1, $0x11  }
0x33: {  	s0 =	sor.u32 s1, s0  }
0x34: {  	s0 =	sadd.s32 $0x8F2B, s0  }
0x35: {  	[sflag:s0] =	ssyncadd.remote.s32 $0x1  }
0x36: {  	_ =	sfence.sel $0xFFFF  }
0x37: {  	[dreg:$0x0] =	wrdreg $0xFFFFFFFF;
	(pc) =	sbr.abs _section_cstart, $3  }
0x38: {  	[dreg:$0x1] =	wrdreg $0xFFFFFFFF  }
0x39: {  	_ =	task.clear_ibuf [dreg:s7], $0x2FFFF;
	_ =	strace $0x9FFFFFFF  }
0x3a: {  	(tm) =	ssettm $0x7FFFFFFF  }
0x3b: {  	_ =	shalt  }
tec
execute0_lowered:
.L_overlay_start_1:
0x0: {  	(tag) =	ssettag $0x1  }
0x1: {  	s7 =	rddreg [dreg:$0x0]  }
0x2: {  	s2 =	rddreg [dreg:$0x1]  }
0x3: {  	s0 =	stileid.u32;
	s1 =	srdreg.scid;
	s31 =	simm.s32 $0x2  }
0x4: {  	s14 =	simm.s32 $0x0;
	s15 =	simm.s32 $0x0;
	s13 =	simm.s32 $0x0  }
0x5: {  	s3 =	sshll.u32 s0, $0x5;
	s4 =	sshll.u32 s1, $0x9;
	s5 =	sshll.u32 s0, $0x1  }
0x6: {  	s1 =	rddreg [dreg:$0x2];
	s4 =	sor.u32 s3, s4;
	s3 =	sand.u32 $0x6, s5  }
0x7: {  	_ =	strace $0x8000004A;
	s4 =	sand.u32 $0x380, s4;
	s5 =	ssub.s32 $0xC8, s3  }
0x8: {  	s12 =	smov.u32 s3;
	s8 =	sshll.u32 s4, $0x4;
	s6 =	sand.u32 $0x6, s5  }
0x9: {  	s9 =	ssub.s32 $0x400, s4;
	s11 =	sshrl.u32 s5, $0x3;
	s5 =	simm.s32 $0x1  }
0xa: {  	p0 =	sne.s32 s6, $0x0;
	s6 =	simm.s32 $0x1;
	s10 =	sand.u32 $0x380, s9  }
0xb: {  	s6 =	simm.s32 @!p0 $0x0;
	p0 =	sne.s32 s10, $0x0;
	s10 =	simm.s32 $0x1  }
.Ltmp0:
0xc: {  	s9 =	sshrl.u32 s9, $0xA;
	s10 =	simm.s32 @!p0 $0x0;
	(pc) =	sbr.rel .LBB1_1-.Ltmp0, $4  }
0xd: {  	[sflag:s5] =	ssyncpa.u1 $0x0;
	s6 =	sadd.s32 s6, s11;
	s9 =	sadd.s32 s10, s9  }
0xe: {  	s8 =	sadd.s32 s8, s7;
	[sflag:s31] =	ssyncpa.u1 $0x0;
	s6 =	smul.u32 s6, s9  }
0xf: {  	s7 =	sadd.s32 $0x800, s8;
	s8 =	sadd.s32 $0x4800, s8;
	p0 =	por $0x0, $0x0  }
0x10: {  	s11 =	simm.s32 $0x2000;
	s10 =	simm.s32 $0x400;
	s9 =	sadd.s32 $0x1, s6  }
.LBB1_7:
0x11: {  	s16 =	sadd.s32 $0x8, s12  }
0x12: {  	p2 =	sgt.s32 s16, $0xC7  }
0x13: {  	s16 =	smov.u32 @p2 s3;
	p2 =	sne.s32 s13, s9  }
.Ltmp1:
0x14: {  	p1 =	slt.u32 s13, $0x2;
	(pc) =	sbr.rel @!p2 .LBB1_8-.Ltmp1, $4  }
0x15: {  	s14 =	simm.s32 @!p1 $0x2  }
0x16: {  	s17 =	sadd.s32 $0x1, s13;
	s15 =	smov.u32 s12;
	_ =	swait.ge @!p1 [sflag:s14], $0x4000  }
0x17: {  	p0 =	por !p0, !p0;
	s13 =	smov.u32 s17;
	[sflag:s14] =	ssyncset.done @!p1 $0x0  }
0x18: {  	s12 =	smov.u32 s16;
	[sflag:s14] =	ssyncadd.s32 @!p1 $0xFFFFC000;
	s14 =	smov.u32 s4  }
.LBB1_1:
0x19: {  	p1 =	sge.u32 s13, s6  }
0x1a: {  	s16 =	sxor.u32 @!p1 $0xFFFFFFFF, s13  }
0x1b: {  	s17 =	sshll.u32 @!p1 s12, $0xE;
	s19 =	simm.s32 @!p1 $0x40;
	s16 =	sshll.u32 @!p1 s16, $0xE  }
0x1c: {  	s20 =	simm.s32 @!p1 $0x80;
	s18 =	sadd.s32 @!p1 s17, s7;
	s16 =	sand.u32 @!p1 $0x4000, s16  }
0x1d: {  	[tilespmem:s16], [sflag:$0x1] =	stream.strided.gather @!p1 [hbm4b:s18+s19], $0x2000, s20, s19, $0x38;
	[tilespmem:$0x10100] =	vst v63  }
0x1e: {  	s31 =	sadd.s32 $0xFFFFFFFF, s13;
	s17 =	sadd.s32 @!p1 s17, s8;
	s16 =	sor.u32 @!p1 $0x2000, s16  }
0x1f: {  	[tilespmem:s16], [sflag:$0x1] =	stream.strided.gather @!p1 [hbm4b:s17+s19], $0x2000, s20, s19, $0x38;
	[tilespmem:$0x10100] =	vst v63  }
0x20: {  	p1 =	sge.u32 s31, s6  }
.Ltmp2:
0x21: {  	_ = 	snop;
	(pc) =	sbr.rel @p1 .LBB1_7-.Ltmp2, $1  }
0x22: {  	_ =	sdelay $0x3  }
0x23: {  	s16 =	simm.s32 $0x1;
	s18 =	sand.u32 $0x1, s13  }
0x24: {  	_ =	swait.ge [sflag:s5], $0x4000;
	s16 =	simm.s32 @!p0 $0x0;
	s18 =	smul.u32 $0x10200, s18  }
0x25: {  	p2 =	por $0x1, $0x1;
	[sflag:s5] =	ssyncset.done $0x0;
	s17 =	smul.u32 $0x10200, s16  }
0x26: {  	s19 =	sshll.u32 s16, $0x10;
	[sflag:s5] =	ssyncadd.s32 $0xFFFFC000;
	s30 =	sshrl.u32 s18, $0x2  }
0x27: {  	s31 =	sshrl.u32 s19, $0x2;
	s19 =	simm.s32 $0x0;
	s17 =	sshrl.u32 s17, $0x2  }
0x28: {  	s16 =	sor.u32 $0x8000, s30;
	s18 =	sadd.s32 $0x20, s31;
	s17 =	sor.u32 $0x8000, s17  }
.LBB1_3:
0x29: {  	s20 =	sshll.u32 s19, $0xD  }
0x2a: {  	s20 =	sand.u32 $0x3FFFE000, s20  }
0x2b: {  	s22 =	sadd.s32 s20, s18  }
0x2c: {  	s31 =	smul.u32 $0x8100, s19;
	v3 =	vld [tilespmem:s22+$0x10]  }
0x2d: {  	v1 =	vld [tilespmem:s22+$0xFFFFFFF0]  }
0x2e: {  	s19 =	sshra.s32 s31, $0x2;
	v0 =	vld [tilespmem:s22+$0x0]  }
0x2f: {  	s19 =	sadd.s32 s19, s17;
	v2 =	vld [tilespmem:s22+$0xFFFFFFE0]  }
0x30: {  	s20 =	sadd.s32 $0x0, s19  }
0x31: {  	p1 =	por p2, p2;
	s21 =	simm.s32 $0x4;
	s22 =	sadd.s32 $0x40, s22;
	[tilespmem:s20+$0x1830 ss:$0x81] =	vst.msk $0xffff, v3  }
.LBB1_4:
0x32: {  	v3 =	vld [tilespmem:s22+$0x10];
	p2 =	sne.s32 s21, $0x1FC;
	[tilespmem:s20+$0x810 ss:$0x81] =	vst.msk $0xffff, v1;
	s23 =	smov.u32 s21;
	s21 =	sadd.s32 $0x4, s21  }
.Ltmp3:
0x33: {  	v1 =	vld [tilespmem:s22+$0xFFFFFFF0];
	[tilespmem:s20+$0x1020 ss:$0x81] =	vst.msk $0xffff, v0;
	(pc) =	sbr.rel @p2 .LBB1_4-.Ltmp3, $4  }
0x34: {  	v0 =	vld [tilespmem:s22+$0x0];
	[tilespmem:s20+$0x0 ss:$0x81] =	vst.msk $0xffff, v2  }
0x35: {  	s20 =	sshra.s32 s23, $0x2;
	v2 =	vld [tilespmem:s22+$0xFFFFFFE0]  }
0x36: {  	s20 =	sadd.s32 s20, s19  }
0x37: {  	s22 =	sadd.s32 $0x40, s22;
	[tilespmem:s20+$0x1830 ss:$0x81] =	vst.msk $0xffff, v3  }
.Ltmp4:
0x38: {  	(pc) =	sbr.rel @p1 .LBB1_3-.Ltmp4, $4  }
0x39: {  	_ = 	snop  }
0x3a: {  	[tilespmem:s20+$0x810 ss:$0x81] =	vst.msk $0xffff, v1  }
0x3b: {  	[tilespmem:s20+$0x1020 ss:$0x81] =	vst.msk $0xffff, v0  }
0x3c: {  	s19 =	simm.s32 $0x1;
	p2 =	por $0x0, $0x0;
	[tilespmem:s20+$0x0 ss:$0x81] =	vst.msk $0xffff, v2  }
.Ltmp5:
0x3d: {  	(pc) =	sbr.rel .LBB1_7-.Ltmp5, $4  }
0x3e: {  	_ = 	snop  }
0x3f: {  	s15 =	sshll.u32 s15, $0xD;
	s14 =	sadd.s32 s2, s14  }
0x40: {  	s14 =	sadd.s32 s15, s14  }
0x41: {  	[hbm4b:s14+s10] =	stream.strided.scatter [tilespmem:s16], [sflag:$0x2], $0x4000, s11, s10, $0x20;
	[tilespmem:$0x10100] =	vst v63  }
.LBB1_8:
0x42: {  	_ =	sfence.sel $0x180000  }
0x43: {  	s2 =	simm.s32 $0x1;
	[bflag:$0x0] =	sbarrier.arrive $0xFFFF  }
0x44: {  	s31 =	simm.s32 $0x2;
	[sflag:s2] =	ssyncpa.u1 $0x1  }
0x45: {  	[sflag:s31] =	ssyncpa.u1 $0x1  }
0x46: {  	p0 =	sne.s32 s0, $0x0;
	_ =	strace $0x9000004A  }
0x47: {  	s0 =	sadd.s32 @!p0 $0x100000, s1;
	[bflag:$0x2] =	sbarrier.arrive $0xFFFF  }
0x48: {  	[sflag:s0] =	ssyncadd.tile.s32 @!p0 $0x1;
	_ =	shalt  }
.Lfunc_end1:
_tile_overlayer_lowered:
.L_overlay_start_2:
0x49: {  	(tag) =	ssettag $0x2  }
0x4a: {  	s0 =	rddreg [dreg:$0x0];
	s2 =	stileid.u32  }
0x4b: {  	s1 =	rddreg [dreg:$0x1];
	p0 =	sne.s32 s2, $0x0  }
0x4c: {  	s3 =	rddreg [dreg:$0x2];
	[bflag:$0x3] =	sbarrier.arrive $0xFFFF;
	s2 =	simm.s32 @!p0 $0x1C01  }
0x4d: {  	[timem:s3], [sflag:s2] =	dma.local @!p0 [hbm:s0], s1  }
0x4e: {  	s0 =	simm.s32 @!p0 $0x1  }
0x4f: {  	_ =	swait.ge @!p0 [sflag:s0], s1  }
0x50: {  	s1 =	ssub.s32 @!p0 $0x0, s1;
	[sflag:s0] =	ssyncset.done @!p0 $0x0  }
0x51: {  	[sflag:s0] =	ssyncadd.s32 @!p0 s1  }
0x52: {  	[bflag:$0x3] =	sbarrier.arrive $0xFFFF  }
0x53: {  	_ =	shalt  }

</sc_bundles>
